<compile_context>
chip_gen: v7x
topology: tpu7x:2x2x1
jax: 0.10.2.dev20260603
libtpu: 0.0.44.dev20260713+nightly
codegen_flags: <defaults>
</compile_context>

<pallas_src>
import functools

import jax
import jax.numpy as jnp
from jax.experimental import pallas as pl
from jax.experimental.pallas import tpu as pltpu
from jax.experimental.pallas import tpu_sc as plsc

PAD_IDX = 0
HEAD_DIM = 64
ROPE_THETA = 10000.0

_NUM_CORES = 2
_NUM_SUBCORES = 16
_CHUNK = 16
_NBUF = 6
_AHEAD = 2


def _sc_gather(table, idx_flat, b, s, hidden):
    n_tokens = b * s
    n_workers = _NUM_CORES * _NUM_SUBCORES
    per_w = n_tokens // n_workers
    n_chunks = per_w // _CHUNK
    w_per_batch = s // per_w

    @functools.partial(
        pl.kernel,
        out_type=jax.ShapeDtypeStruct((b, s, hidden), table.dtype),
        mesh=plsc.VectorSubcoreMesh(core_axis_name="core",
                                    subcore_axis_name="subcore"),
        scratch_types=(
            [pltpu.VMEM((per_w,), jnp.int32)]
            + [pltpu.VMEM((_CHUNK, hidden), jnp.float32)] * _NBUF
            + [pltpu.SemaphoreType.DMA] * (2 * _NBUF)
        ),
    )
    def gather_kernel(x_hbm, i_hbm, o_hbm, idx_v, *bufs_and_sems):
        bufs = bufs_and_sems[:_NBUF]
        gsems = bufs_and_sems[_NBUF:2 * _NBUF]
        ssems = bufs_and_sems[2 * _NBUF:]
        wid = (jax.lax.axis_index("subcore") * _NUM_CORES
               + jax.lax.axis_index("core"))
        base = wid * per_w
        batch_i = wid // w_per_batch
        seq_0 = (wid % w_per_batch) * per_w
        def gather_copy(c, n):
            return pltpu.make_async_copy(
                x_hbm.at[idx_v.at[pl.ds(c * _CHUNK, _CHUNK)]],
                bufs[n], gsems[n])

        def scatter_copy(c, n):
            return pltpu.make_async_copy(
                bufs[n],
                o_hbm.at[batch_i, pl.ds(seq_0 + c * _CHUNK, _CHUNK)],
                ssems[n])

        rounds = (n_chunks - _NBUF - _AHEAD) // _NBUF
        assert n_chunks == _NBUF + rounds * _NBUF + _AHEAD
        assert _AHEAD < _NBUF <= n_chunks

        def steady_step(c, b):
            b2 = (b + _AHEAD) % _NBUF
            scatter_copy(c + _AHEAD - _NBUF, b2).wait()
            gather_copy(c + _AHEAD, b2).start()
            gather_copy(c, b).wait()
            scatter_copy(c, b).start()

        head_idx = _AHEAD * _CHUNK
        pltpu.sync_copy(i_hbm.at[pl.ds(base, head_idx)],
                        idx_v.at[pl.ds(0, head_idx)])
        for a in range(_AHEAD):
            gather_copy(a, a).start()
        pltpu.sync_copy(i_hbm.at[pl.ds(base + head_idx, per_w - head_idx)],
                        idx_v.at[pl.ds(head_idx, per_w - head_idx)])
        for c in range(_NBUF):
            j = c + _AHEAD - _NBUF
            if j >= 0:
                scatter_copy(j, (c + _AHEAD) % _NBUF).wait()
            gather_copy(c + _AHEAD, (c + _AHEAD) % _NBUF).start()
            gather_copy(c, c).wait()
            scatter_copy(c, c).start()

        @pl.loop(0, rounds)
        def _(r):
            c0 = _NBUF + r * _NBUF
            for b in range(_NBUF):
                steady_step(c0 + b, b)

        for c in range(n_chunks - _AHEAD, n_chunks):
            b = c % _NBUF
            scatter_copy(c + _AHEAD - _NBUF, (b + _AHEAD) % _NBUF).wait()
            gather_copy(c, b).wait()
            scatter_copy(c, b).start()
        for c in range(n_chunks - (_NBUF - _AHEAD), n_chunks):
            scatter_copy(c, c % _NBUF).wait()

    return gather_kernel(table, idx_flat)


def _rope_body(ids_ref, invf_ref, pos_ref, mask_ref, cos_ref, sin_ref):
    ids = ids_ref[...]
    b, s = ids.shape
    pos_ref[...] = jax.lax.broadcasted_iota(jnp.int32, (b, s), 1)
    mask_ref[...] = (ids != PAD_IDX).astype(jnp.int32)
    pos3 = jax.lax.broadcasted_iota(jnp.int32, (b, HEAD_DIM, s), 2).astype(
        jnp.float32)
    phase = pos3 * invf_ref[...]
    cos_ref[...] = jnp.cos(phase)
    sin_ref[...] = jnp.sin(phase)


def _tc_rope(input_ids, invf_full):
    b, s = input_ids.shape
    return pl.pallas_call(
        _rope_body,
        out_shape=(
            jax.ShapeDtypeStruct((b, s), jnp.int32),
            jax.ShapeDtypeStruct((b, s), jnp.int32),
            jax.ShapeDtypeStruct((b, HEAD_DIM, s), jnp.float32),
            jax.ShapeDtypeStruct((b, HEAD_DIM, s), jnp.float32),
        ),
    )(input_ids, invf_full)


def kernel(input_ids, embed_table):
    b, s = input_ids.shape
    vocab, hidden = embed_table.shape
    n_tokens = b * s

    idx_flat = input_ids.reshape(n_tokens)
    hidden_states = _sc_gather(embed_table, idx_flat, b, s, hidden)

    inv_freq = 1.0 / (ROPE_THETA ** (
        jnp.arange(0, HEAD_DIM, 2, dtype=jnp.float32) / HEAD_DIM))
    invf_full = jnp.concatenate([inv_freq, inv_freq]).reshape(1, HEAD_DIM, 1)

    position_ids, attention_mask, cos_t, sin_t = _tc_rope(input_ids, invf_full)
    cos = jnp.swapaxes(cos_t, 1, 2)
    sin = jnp.swapaxes(sin_t, 1, 2)
    return (hidden_states, position_ids, attention_mask, cos, sin, input_ids)

# --- scband reference (transcript-rebuilt; emitter-appended) ---
"""Pipeline reference for scband-embedding-pipe-layer-8057358648121 (READ-ONLY COPY).

The authoritative reference and input builder live on the scoring server;
editing this copy changes nothing except your own understanding.
"""

import jax, jax.numpy as jnp
import numpy as np

VOCAB_SIZE = 100000
HIDDEN_SIZE = 1024
PAD_IDX = 0
HEAD_DIM = 64
ROPE_THETA = 10000.0
BATCH = 4
SEQ_LEN = 4096


def setup_inputs(seed: int = 0) -> dict:
    key = jax.random.key(seed)
    k1, k2 = jax.random.split(key)
    input_ids = jax.random.randint(k1, (BATCH, SEQ_LEN), 0, VOCAB_SIZE, dtype=jnp.int32)
    embed_table = jax.random.normal(k2, (VOCAB_SIZE, HIDDEN_SIZE), dtype=jnp.float32)
    # padding_idx row is zero-initialized in torch.nn.Embedding with padding_idx set
    embed_table = embed_table.at[PAD_IDX].set(0.0)
    return {"input_ids": input_ids, "embed_table": embed_table}


def _rotary_emb(position_ids, dtype):
    # Faithful to LlamaRotaryEmbedding (default rope): inv_freq over even dims of head_dim
    inv_freq = 1.0 / (ROPE_THETA ** (jnp.arange(0, HEAD_DIM, 2, dtype=jnp.float32) / HEAD_DIM))
    # freqs: [B, S, HEAD_DIM//2]
    freqs = position_ids[..., None].astype(jnp.float32) * inv_freq[None, None, :]
    emb = jnp.concatenate([freqs, freqs], axis=-1)
    cos = jnp.cos(emb).astype(dtype)
    sin = jnp.sin(emb).astype(dtype)
    return cos, sin


def reference(input_ids, embed_table):
    # ipt is a plain tensor -> labels = input_ids.clone()
    labels = input_ids
    # embedding lookup (gather)
    hidden_states = jnp.take(embed_table, input_ids, axis=0)
    seq_length = input_ids.shape[1]
    position_ids = jnp.broadcast_to(
        jnp.arange(seq_length, dtype=jnp.int32)[None, :], input_ids.shape
    )
    attention_mask = (input_ids != PAD_IDX).astype(jnp.int32)
    cos, sin = _rotary_emb(position_ids, hidden_states.dtype)
    return (hidden_states, position_ids, attention_mask, cos, sin, labels)

if __name__ == "__main__":
    import jax
    _d = setup_inputs()
    print(jax.jit(kernel)(*tuple(_d.values())))

</pallas_src>

<mosaic_0001>
#map = affine_map<(d0, d1) -> (0, 0)>
#map1 = affine_map<(d0, d1) -> (0)>
#map2 = affine_map<(d0, d1) -> (0, 0, 0)>
module attributes {stable_mosaic.version = 14 : i64} {
  func.func @gather_kernel(%arg0: i32, %arg1: i32, %arg2: memref<100000x1024xf32, #tpu.memory_space<hbm>>, %arg3: memref<16384xi32, #tpu.memory_space<hbm>>, %arg4: memref<4x4096x1024xf32, #tpu.memory_space<hbm>>, %arg5: memref<512xi32, #tpu.memory_space<vmem>>, %arg6: memref<16x1024xf32, #tpu.memory_space<vmem>>, %arg7: memref<16x1024xf32, #tpu.memory_space<vmem>>, %arg8: memref<16x1024xf32, #tpu.memory_space<vmem>>, %arg9: memref<16x1024xf32, #tpu.memory_space<vmem>>, %arg10: memref<16x1024xf32, #tpu.memory_space<vmem>>, %arg11: memref<16x1024xf32, #tpu.memory_space<vmem>>, %arg12: memref<!tpu.dma_semaphore, #tpu.memory_space<semaphore_mem>>, %arg13: memref<!tpu.dma_semaphore, #tpu.memory_space<semaphore_mem>>, %arg14: memref<!tpu.dma_semaphore, #tpu.memory_space<semaphore_mem>>, %arg15: memref<!tpu.dma_semaphore, #tpu.memory_space<semaphore_mem>>, %arg16: memref<!tpu.dma_semaphore, #tpu.memory_space<semaphore_mem>>, %arg17: memref<!tpu.dma_semaphore, #tpu.memory_space<semaphore_mem>>, %arg18: memref<!tpu.dma_semaphore, #tpu.memory_space<semaphore_mem>>, %arg19: memref<!tpu.dma_semaphore, #tpu.memory_space<semaphore_mem>>, %arg20: memref<!tpu.dma_semaphore, #tpu.memory_space<semaphore_mem>>, %arg21: memref<!tpu.dma_semaphore, #tpu.memory_space<semaphore_mem>>, %arg22: memref<!tpu.dma_semaphore, #tpu.memory_space<semaphore_mem>>, %arg23: memref<!tpu.dma_semaphore, #tpu.memory_space<semaphore_mem>>) attributes {dimension_semantics = [#tpu.dimension_semantics<core_parallel>, #tpu.dimension_semantics<subcore_parallel>], iteration_bounds = array<i64: 2, 16>, scalar_prefetch = 0 : i64, scratch_operands = 19 : i64, tpu.core_type = #tpu.core_type<sc_vector_subcore>, window_params = [{transform_indices = #map}, {transform_indices = #map1}, {transform_indices = #map2}]} {
    %mul3A = arith.constant 2 : i32
    %mul3A_0 = arith.muli %arg1, %mul3A : i32
    %add3A = arith.addi %mul3A_0, %arg0 : i32
    %mul3A_1 = arith.constant 512 : i32
    %mul3A_2 = arith.muli %add3A, %mul3A_1 : i32
    %jit3A = arith.constant 8 : i32
    %div3A = arith.divsi %add3A, %jit3A : i32
    %sign3A = arith.constant 0 : i32
    %sign3A_3 = arith.cmpi sgt, %add3A, %sign3A : i32
    %sign3A_4 = arith.extui %sign3A_3 : i1 to i32
    %sign3A_5 = arith.constant 0 : i32
    %sign3A_6 = arith.cmpi slt, %add3A, %sign3A_5 : i32
    %sign3A_7 = arith.extui %sign3A_6 : i1 to i32
    %sign3A_8 = arith.subi %sign3A_4, %sign3A_7 : i32
    %sign3A_9 = arith.constant 0 : i32
    %sign3A_10 = arith.cmpi sgt, %jit3A, %sign3A_9 : i32
    %sign3A_11 = arith.extui %sign3A_10 : i1 to i32
    %sign3A_12 = arith.constant 0 : i32
    %sign3A_13 = arith.cmpi slt, %jit3A, %sign3A_12 : i32
    %sign3A_14 = arith.extui %sign3A_13 : i1 to i32
    %sign3A_15 = arith.subi %sign3A_11, %sign3A_14 : i32
    %ne3A = arith.cmpi ne, %sign3A_8, %sign3A_15 : i32
    %rem3A = arith.remsi %add3A, %jit3A : i32
    %ne3A_16 = arith.constant 0 : i32
    %ne3A_17 = arith.cmpi ne, %rem3A, %ne3A_16 : i32
    %and3A = arith.andi %ne3A, %ne3A_17 : i1
    %sub3A = arith.constant 1 : i32
    %sub3A_18 = arith.subi %div3A, %sub3A : i32
    %select_n3A = arith.select %and3A, %sub3A_18, %div3A : i32
    %jit3A_19 = arith.constant 8 : i32
    %eq3A = arith.constant 0 : i32
    %eq3A_20 = arith.cmpi eq, %jit3A_19, %eq3A : i32
    %jit3A_21 = arith.constant 1 : i32
    %select_n3A_22 = arith.select %eq3A_20, %jit3A_21, %jit3A_19 : i32
    %rem3A_23 = arith.remsi %add3A, %select_n3A_22 : i32
    %ne3A_24 = arith.constant 0 : i32
    %ne3A_25 = arith.cmpi ne, %rem3A_23, %ne3A_24 : i32
    %lt3A = arith.constant 0 : i32
    %lt3A_26 = arith.cmpi slt, %rem3A_23, %lt3A : i32
    %lt3A_27 = arith.constant 0 : i32
    %lt3A_28 = arith.cmpi slt, %select_n3A_22, %lt3A_27 : i32
    %ne3A_29 = arith.xori %lt3A_26, %lt3A_28 : i1
    %and3A_30 = arith.andi %ne3A_29, %ne3A_25 : i1
    %add3A_31 = arith.addi %rem3A_23, %select_n3A_22 : i32
    %select_n3A_32 = arith.select %and3A_30, %add3A_31, %rem3A_23 : i32
    %mul3A_33 = arith.constant 512 : i32
    %mul3A_34 = arith.muli %select_n3A_32, %mul3A_33 : i32
    "tpu.region"() ({
      %run_scoped3A = tpu.sem_alloc : memref<!tpu.dma_semaphore, #tpu.memory_space<semaphore_mem>>
      %dma_start3A_247 = arith.constant 0 : i32
      %dma_start3A_248 = tpu.memref_slice %arg5[%dma_start3A_247] : memref<512xi32, #tpu.memory_space<vmem>> -> memref<32xi32, #tpu.memory_space<vmem>>
      %dma_start3A_249 = tpu.memref_slice %arg3[%mul3A_2] : memref<16384xi32, #tpu.memory_space<hbm>> -> memref<32xi32, #tpu.memory_space<hbm>>
      %dma_start3A_250 = arith.constant 0 : i32
      %dma_start3A_251 = tpu.memref_slice %arg5[%dma_start3A_250] : memref<512xi32, #tpu.memory_space<vmem>> -> memref<32xi32, #tpu.memory_space<vmem>>
      %dma_start3A_252 = tpu.memref_slice %arg3[%mul3A_2] : memref<16384xi32, #tpu.memory_space<hbm>> -> memref<32xi32, #tpu.memory_space<hbm>>
      tpu.enqueue_dma source(%dma_start3A_252 : memref<32xi32, #tpu.memory_space<hbm>>) target(%dma_start3A_251 : memref<32xi32, #tpu.memory_space<vmem>>) target_semaphore(%run_scoped3A : memref<!tpu.dma_semaphore, #tpu.memory_space<semaphore_mem>>)
      %dma_wait3A_253 = arith.constant 0 : i32
      %dma_wait3A_254 = tpu.memref_slice %arg5[%dma_wait3A_253] : memref<512xi32, #tpu.memory_space<vmem>> -> memref<32xi32, #tpu.memory_space<vmem>>
      %dma_wait3A_255 = tpu.memref_slice %arg3[%mul3A_2] : memref<16384xi32, #tpu.memory_space<hbm>> -> memref<32xi32, #tpu.memory_space<hbm>>
      %dma_wait3A_256 = arith.constant 0 : i32
      %dma_wait3A_257 = tpu.memref_slice %arg5[%dma_wait3A_256] : memref<512xi32, #tpu.memory_space<vmem>> -> memref<32xi32, #tpu.memory_space<vmem>>
      %dma_wait3A_258 = tpu.memref_slice %arg3[%mul3A_2] : memref<16384xi32, #tpu.memory_space<hbm>> -> memref<32xi32, #tpu.memory_space<hbm>>
      tpu.wait_dma2 semaphore(%run_scoped3A : memref<!tpu.dma_semaphore, #tpu.memory_space<semaphore_mem>>) src(%dma_wait3A_258 : memref<32xi32, #tpu.memory_space<hbm>>) dst(%dma_wait3A_257 : memref<32xi32, #tpu.memory_space<vmem>>)
      tpu.yield
    }) : () -> ()
    %dma_start3A = arith.constant 0 : i32
    %dma_start3A_35 = tpu.memref_slice %arg5[%dma_start3A] : memref<512xi32, #tpu.memory_space<vmem>> -> memref<16xi32, #tpu.memory_space<vmem>>
    %dma_start3A_36 = arith.constant 0 : i32
    %dma_start3A_37 = arith.constant 0 : i32
    %dma_start3A_38 = tpu.memref_slice %arg2[%dma_start3A_36, %dma_start3A_37] : memref<100000x1024xf32, #tpu.memory_space<hbm>> -> memref<100000x1024xf32, #tpu.memory_space<hbm>>
    tpu.enqueue_indirect_dma source(%dma_start3A_38 : memref<100000x1024xf32, #tpu.memory_space<hbm>>) target(%arg6 : memref<16x1024xf32, #tpu.memory_space<vmem>>) offsets(%dma_start3A_35 : memref<16xi32, #tpu.memory_space<vmem>>) semaphore(%arg12 : memref<!tpu.dma_semaphore, #tpu.memory_space<semaphore_mem>>)
    %dma_start3A_39 = arith.constant 16 : i32
    %dma_start3A_40 = tpu.memref_slice %arg5[%dma_start3A_39] : memref<512xi32, #tpu.memory_space<vmem>> -> memref<16xi32, #tpu.memory_space<vmem>>
    %dma_start3A_41 = arith.constant 0 : i32
    %dma_start3A_42 = arith.constant 0 : i32
    %dma_start3A_43 = tpu.memref_slice %arg2[%dma_start3A_41, %dma_start3A_42] : memref<100000x1024xf32, #tpu.memory_space<hbm>> -> memref<100000x1024xf32, #tpu.memory_space<hbm>>
    tpu.enqueue_indirect_dma source(%dma_start3A_43 : memref<100000x1024xf32, #tpu.memory_space<hbm>>) target(%arg7 : memref<16x1024xf32, #tpu.memory_space<vmem>>) offsets(%dma_start3A_40 : memref<16xi32, #tpu.memory_space<vmem>>) semaphore(%arg13 : memref<!tpu.dma_semaphore, #tpu.memory_space<semaphore_mem>>)
    %add3A_44 = arith.constant 32 : i32
    %add3A_45 = arith.addi %mul3A_2, %add3A_44 : i32
    "tpu.region"() ({
      %run_scoped3A = tpu.sem_alloc : memref<!tpu.dma_semaphore, #tpu.memory_space<semaphore_mem>>
      %dma_start3A_247 = arith.constant 32 : i32
      %dma_start3A_248 = tpu.memref_slice %arg5[%dma_start3A_247] : memref<512xi32, #tpu.memory_space<vmem>> -> memref<480xi32, #tpu.memory_space<vmem>>
      %dma_start3A_249 = tpu.memref_slice %arg3[%add3A_45] : memref<16384xi32, #tpu.memory_space<hbm>> -> memref<480xi32, #tpu.memory_space<hbm>>
      %dma_start3A_250 = arith.constant 32 : i32
      %dma_start3A_251 = tpu.memref_slice %arg5[%dma_start3A_250] : memref<512xi32, #tpu.memory_space<vmem>> -> memref<480xi32, #tpu.memory_space<vmem>>
      %dma_start3A_252 = tpu.memref_slice %arg3[%add3A_45] : memref<16384xi32, #tpu.memory_space<hbm>> -> memref<480xi32, #tpu.memory_space<hbm>>
      tpu.enqueue_dma source(%dma_start3A_252 : memref<480xi32, #tpu.memory_space<hbm>>) target(%dma_start3A_251 : memref<480xi32, #tpu.memory_space<vmem>>) target_semaphore(%run_scoped3A : memref<!tpu.dma_semaphore, #tpu.memory_space<semaphore_mem>>)
      %dma_wait3A_253 = arith.constant 32 : i32
      %dma_wait3A_254 = tpu.memref_slice %arg5[%dma_wait3A_253] : memref<512xi32, #tpu.memory_space<vmem>> -> memref<480xi32, #tpu.memory_space<vmem>>
      %dma_wait3A_255 = tpu.memref_slice %arg3[%add3A_45] : memref<16384xi32, #tpu.memory_space<hbm>> -> memref<480xi32, #tpu.memory_space<hbm>>
      %dma_wait3A_256 = arith.constant 32 : i32
      %dma_wait3A_257 = tpu.memref_slice %arg5[%dma_wait3A_256] : memref<512xi32, #tpu.memory_space<vmem>> -> memref<480xi32, #tpu.memory_space<vmem>>
      %dma_wait3A_258 = tpu.memref_slice %arg3[%add3A_45] : memref<16384xi32, #tpu.memory_space<hbm>> -> memref<480xi32, #tpu.memory_space<hbm>>
      tpu.wait_dma2 semaphore(%run_scoped3A : memref<!tpu.dma_semaphore, #tpu.memory_space<semaphore_mem>>) src(%dma_wait3A_258 : memref<480xi32, #tpu.memory_space<hbm>>) dst(%dma_wait3A_257 : memref<480xi32, #tpu.memory_space<vmem>>)
      tpu.yield
    }) : () -> ()
    %dma_start3A_46 = arith.constant 32 : i32
    %dma_start3A_47 = tpu.memref_slice %arg5[%dma_start3A_46] : memref<512xi32, #tpu.memory_space<vmem>> -> memref<16xi32, #tpu.memory_space<vmem>>
    %dma_start3A_48 = arith.constant 0 : i32
    %dma_start3A_49 = arith.constant 0 : i32
    %dma_start3A_50 = tpu.memref_slice %arg2[%dma_start3A_48, %dma_start3A_49] : memref<100000x1024xf32, #tpu.memory_space<hbm>> -> memref<100000x1024xf32, #tpu.memory_space<hbm>>
    tpu.enqueue_indirect_dma source(%dma_start3A_50 : memref<100000x1024xf32, #tpu.memory_space<hbm>>) target(%arg8 : memref<16x1024xf32, #tpu.memory_space<vmem>>) offsets(%dma_start3A_47 : memref<16xi32, #tpu.memory_space<vmem>>) semaphore(%arg14 : memref<!tpu.dma_semaphore, #tpu.memory_space<semaphore_mem>>)
    %dma_wait3A = arith.constant 0 : i32
    %dma_wait3A_51 = tpu.memref_slice %arg5[%dma_wait3A] : memref<512xi32, #tpu.memory_space<vmem>> -> memref<16xi32, #tpu.memory_space<vmem>>
    %dma_wait3A_52 = arith.constant 0 : i32
    %dma_wait3A_53 = arith.constant 0 : i32
    %dma_wait3A_54 = tpu.memref_slice %arg2[%dma_wait3A_52, %dma_wait3A_53] : memref<100000x1024xf32, #tpu.memory_space<hbm>> -> memref<100000x1024xf32, #tpu.memory_space<hbm>>
    tpu.wait_indirect_dma semaphore(%arg12 : memref<!tpu.dma_semaphore, #tpu.memory_space<semaphore_mem>>) src(%dma_wait3A_54 : memref<100000x1024xf32, #tpu.memory_space<hbm>>) dst(%arg6 : memref<16x1024xf32, #tpu.memory_space<vmem>>)
    %add3A_55 = arith.constant 0 : i32
    %add3A_56 = arith.addi %mul3A_34, %add3A_55 : i32
    %dma_start3A_57 = arith.constant 0 : i32
    %dma_start3A_58 = tpu.memref_slice %arg4[%select_n3A, %add3A_56, %dma_start3A_57] : memref<4x4096x1024xf32, #tpu.memory_space<hbm>> -> memref<1x16x1024xf32, #tpu.memory_space<hbm>>
    %dma_start3A_59 = tpu.memref_squeeze %dma_start3A_58 : memref<1x16x1024xf32, #tpu.memory_space<hbm>> -> memref<16x1024xf32, #tpu.memory_space<hbm>>
    %dma_start3A_60 = arith.constant 0 : i32
    %dma_start3A_61 = tpu.memref_slice %arg4[%select_n3A, %add3A_56, %dma_start3A_60] : memref<4x4096x1024xf32, #tpu.memory_space<hbm>> -> memref<1x16x1024xf32, #tpu.memory_space<hbm>>
    %dma_start3A_62 = tpu.memref_squeeze %dma_start3A_61 : memref<1x16x1024xf32, #tpu.memory_space<hbm>> -> memref<16x1024xf32, #tpu.memory_space<hbm>>
    tpu.enqueue_dma source(%arg6 : memref<16x1024xf32, #tpu.memory_space<vmem>>) target(%dma_start3A_62 : memref<16x1024xf32, #tpu.memory_space<hbm>>) target_semaphore(%arg18 : memref<!tpu.dma_semaphore, #tpu.memory_space<semaphore_mem>>)
    %dma_start3A_63 = arith.constant 48 : i32
    %dma_start3A_64 = tpu.memref_slice %arg5[%dma_start3A_63] : memref<512xi32, #tpu.memory_space<vmem>> -> memref<16xi32, #tpu.memory_space<vmem>>
    %dma_start3A_65 = arith.constant 0 : i32
    %dma_start3A_66 = arith.constant 0 : i32
    %dma_start3A_67 = tpu.memref_slice %arg2[%dma_start3A_65, %dma_start3A_66] : memref<100000x1024xf32, #tpu.memory_space<hbm>> -> memref<100000x1024xf32, #tpu.memory_space<hbm>>
    tpu.enqueue_indirect_dma source(%dma_start3A_67 : memref<100000x1024xf32, #tpu.memory_space<hbm>>) target(%arg9 : memref<16x1024xf32, #tpu.memory_space<vmem>>) offsets(%dma_start3A_64 : memref<16xi32, #tpu.memory_space<vmem>>) semaphore(%arg15 : memref<!tpu.dma_semaphore, #tpu.memory_space<semaphore_mem>>)
    %dma_wait3A_68 = arith.constant 16 : i32
    %dma_wait3A_69 = tpu.memref_slice %arg5[%dma_wait3A_68] : memref<512xi32, #tpu.memory_space<vmem>> -> memref<16xi32, #tpu.memory_space<vmem>>
    %dma_wait3A_70 = arith.constant 0 : i32
    %dma_wait3A_71 = arith.constant 0 : i32
    %dma_wait3A_72 = tpu.memref_slice %arg2[%dma_wait3A_70, %dma_wait3A_71] : memref<100000x1024xf32, #tpu.memory_space<hbm>> -> memref<100000x1024xf32, #tpu.memory_space<hbm>>
    tpu.wait_indirect_dma semaphore(%arg13 : memref<!tpu.dma_semaphore, #tpu.memory_space<semaphore_mem>>) src(%dma_wait3A_72 : memref<100000x1024xf32, #tpu.memory_space<hbm>>) dst(%arg7 : memref<16x1024xf32, #tpu.memory_space<vmem>>)
    %add3A_73 = arith.constant 16 : i32
    %add3A_74 = arith.addi %mul3A_34, %add3A_73 : i32
    %dma_start3A_75 = arith.constant 0 : i32
    %dma_start3A_76 = tpu.memref_slice %arg4[%select_n3A, %add3A_74, %dma_start3A_75] : memref<4x4096x1024xf32, #tpu.memory_space<hbm>> -> memref<1x16x1024xf32, #tpu.memory_space<hbm>>
    %dma_start3A_77 = tpu.memref_squeeze %dma_start3A_76 : memref<1x16x1024xf32, #tpu.memory_space<hbm>> -> memref<16x1024xf32, #tpu.memory_space<hbm>>
    %dma_start3A_78 = arith.constant 0 : i32
    %dma_start3A_79 = tpu.memref_slice %arg4[%select_n3A, %add3A_74, %dma_start3A_78] : memref<4x4096x1024xf32, #tpu.memory_space<hbm>> -> memref<1x16x1024xf32, #tpu.memory_space<hbm>>
    %dma_start3A_80 = tpu.memref_squeeze %dma_start3A_79 : memref<1x16x1024xf32, #tpu.memory_space<hbm>> -> memref<16x1024xf32, #tpu.memory_space<hbm>>
    tpu.enqueue_dma source(%arg7 : memref<16x1024xf32, #tpu.memory_space<vmem>>) target(%dma_start3A_80 : memref<16x1024xf32, #tpu.memory_space<hbm>>) target_semaphore(%arg19 : memref<!tpu.dma_semaphore, #tpu.memory_space<semaphore_mem>>)
    %dma_start3A_81 = arith.constant 64 : i32
    %dma_start3A_82 = tpu.memref_slice %arg5[%dma_start3A_81] : memref<512xi32, #tpu.memory_space<vmem>> -> memref<16xi32, #tpu.memory_space<vmem>>
    %dma_start3A_83 = arith.constant 0 : i32
    %dma_start3A_84 = arith.constant 0 : i32
    %dma_start3A_85 = tpu.memref_slice %arg2[%dma_start3A_83, %dma_start3A_84] : memref<100000x1024xf32, #tpu.memory_space<hbm>> -> memref<100000x1024xf32, #tpu.memory_space<hbm>>
    tpu.enqueue_indirect_dma source(%dma_start3A_85 : memref<100000x1024xf32, #tpu.memory_space<hbm>>) target(%arg10 : memref<16x1024xf32, #tpu.memory_space<vmem>>) offsets(%dma_start3A_82 : memref<16xi32, #tpu.memory_space<vmem>>) semaphore(%arg16 : memref<!tpu.dma_semaphore, #tpu.memory_space<semaphore_mem>>)
    %dma_wait3A_86 = arith.constant 32 : i32
    %dma_wait3A_87 = tpu.memref_slice %arg5[%dma_wait3A_86] : memref<512xi32, #tpu.memory_space<vmem>> -> memref<16xi32, #tpu.memory_space<vmem>>
    %dma_wait3A_88 = arith.constant 0 : i32
    %dma_wait3A_89 = arith.constant 0 : i32
    %dma_wait3A_90 = tpu.memref_slice %arg2[%dma_wait3A_88, %dma_wait3A_89] : memref<100000x1024xf32, #tpu.memory_space<hbm>> -> memref<100000x1024xf32, #tpu.memory_space<hbm>>
    tpu.wait_indirect_dma semaphore(%arg14 : memref<!tpu.dma_semaphore, #tpu.memory_space<semaphore_mem>>) src(%dma_wait3A_90 : memref<100000x1024xf32, #tpu.memory_space<hbm>>) dst(%arg8 : memref<16x1024xf32, #tpu.memory_space<vmem>>)
    %add3A_91 = arith.constant 32 : i32
    %add3A_92 = arith.addi %mul3A_34, %add3A_91 : i32
    %dma_start3A_93 = arith.constant 0 : i32
    %dma_start3A_94 = tpu.memref_slice %arg4[%select_n3A, %add3A_92, %dma_start3A_93] : memref<4x4096x1024xf32, #tpu.memory_space<hbm>> -> memref<1x16x1024xf32, #tpu.memory_space<hbm>>
    %dma_start3A_95 = tpu.memref_squeeze %dma_start3A_94 : memref<1x16x1024xf32, #tpu.memory_space<hbm>> -> memref<16x1024xf32, #tpu.memory_space<hbm>>
    %dma_start3A_96 = arith.constant 0 : i32
    %dma_start3A_97 = tpu.memref_slice %arg4[%select_n3A, %add3A_92, %dma_start3A_96] : memref<4x4096x1024xf32, #tpu.memory_space<hbm>> -> memref<1x16x1024xf32, #tpu.memory_space<hbm>>
    %dma_start3A_98 = tpu.memref_squeeze %dma_start3A_97 : memref<1x16x1024xf32, #tpu.memory_space<hbm>> -> memref<16x1024xf32, #tpu.memory_space<hbm>>
    tpu.enqueue_dma source(%arg8 : memref<16x1024xf32, #tpu.memory_space<vmem>>) target(%dma_start3A_98 : memref<16x1024xf32, #tpu.memory_space<hbm>>) target_semaphore(%arg20 : memref<!tpu.dma_semaphore, #tpu.memory_space<semaphore_mem>>)
    %dma_start3A_99 = arith.constant 80 : i32
    %dma_start3A_100 = tpu.memref_slice %arg5[%dma_start3A_99] : memref<512xi32, #tpu.memory_space<vmem>> -> memref<16xi32, #tpu.memory_space<vmem>>
    %dma_start3A_101 = arith.constant 0 : i32
    %dma_start3A_102 = arith.constant 0 : i32
    %dma_start3A_103 = tpu.memref_slice %arg2[%dma_start3A_101, %dma_start3A_102] : memref<100000x1024xf32, #tpu.memory_space<hbm>> -> memref<100000x1024xf32, #tpu.memory_space<hbm>>
    tpu.enqueue_indirect_dma source(%dma_start3A_103 : memref<100000x1024xf32, #tpu.memory_space<hbm>>) target(%arg11 : memref<16x1024xf32, #tpu.memory_space<vmem>>) offsets(%dma_start3A_100 : memref<16xi32, #tpu.memory_space<vmem>>) semaphore(%arg17 : memref<!tpu.dma_semaphore, #tpu.memory_space<semaphore_mem>>)
    %dma_wait3A_104 = arith.constant 48 : i32
    %dma_wait3A_105 = tpu.memref_slice %arg5[%dma_wait3A_104] : memref<512xi32, #tpu.memory_space<vmem>> -> memref<16xi32, #tpu.memory_space<vmem>>
    %dma_wait3A_106 = arith.constant 0 : i32
    %dma_wait3A_107 = arith.constant 0 : i32
    %dma_wait3A_108 = tpu.memref_slice %arg2[%dma_wait3A_106, %dma_wait3A_107] : memref<100000x1024xf32, #tpu.memory_space<hbm>> -> memref<100000x1024xf32, #tpu.memory_space<hbm>>
    tpu.wait_indirect_dma semaphore(%arg15 : memref<!tpu.dma_semaphore, #tpu.memory_space<semaphore_mem>>) src(%dma_wait3A_108 : memref<100000x1024xf32, #tpu.memory_space<hbm>>) dst(%arg9 : memref<16x1024xf32, #tpu.memory_space<vmem>>)
    %add3A_109 = arith.constant 48 : i32
    %add3A_110 = arith.addi %mul3A_34, %add3A_109 : i32
    %dma_start3A_111 = arith.constant 0 : i32
    %dma_start3A_112 = tpu.memref_slice %arg4[%select_n3A, %add3A_110, %dma_start3A_111] : memref<4x4096x1024xf32, #tpu.memory_space<hbm>> -> memref<1x16x1024xf32, #tpu.memory_space<hbm>>
    %dma_start3A_113 = tpu.memref_squeeze %dma_start3A_112 : memref<1x16x1024xf32, #tpu.memory_space<hbm>> -> memref<16x1024xf32, #tpu.memory_space<hbm>>
    %dma_start3A_114 = arith.constant 0 : i32
    %dma_start3A_115 = tpu.memref_slice %arg4[%select_n3A, %add3A_110, %dma_start3A_114] : memref<4x4096x1024xf32, #tpu.memory_space<hbm>> -> memref<1x16x1024xf32, #tpu.memory_space<hbm>>
    %dma_start3A_116 = tpu.memref_squeeze %dma_start3A_115 : memref<1x16x1024xf32, #tpu.memory_space<hbm>> -> memref<16x1024xf32, #tpu.memory_space<hbm>>
    tpu.enqueue_dma source(%arg9 : memref<16x1024xf32, #tpu.memory_space<vmem>>) target(%dma_start3A_116 : memref<16x1024xf32, #tpu.memory_space<hbm>>) target_semaphore(%arg21 : memref<!tpu.dma_semaphore, #tpu.memory_space<semaphore_mem>>)
    %add3A_117 = arith.constant 0 : i32
    %add3A_118 = arith.addi %mul3A_34, %add3A_117 : i32
    %dma_wait3A_119 = arith.constant 0 : i32
    %dma_wait3A_120 = tpu.memref_slice %arg4[%select_n3A, %add3A_118, %dma_wait3A_119] : memref<4x4096x1024xf32, #tpu.memory_space<hbm>> -> memref<1x16x1024xf32, #tpu.memory_space<hbm>>
    %dma_wait3A_121 = tpu.memref_squeeze %dma_wait3A_120 : memref<1x16x1024xf32, #tpu.memory_space<hbm>> -> memref<16x1024xf32, #tpu.memory_space<hbm>>
    %dma_wait3A_122 = arith.constant 0 : i32
    %dma_wait3A_123 = tpu.memref_slice %arg4[%select_n3A, %add3A_118, %dma_wait3A_122] : memref<4x4096x1024xf32, #tpu.memory_space<hbm>> -> memref<1x16x1024xf32, #tpu.memory_space<hbm>>
    %dma_wait3A_124 = tpu.memref_squeeze %dma_wait3A_123 : memref<1x16x1024xf32, #tpu.memory_space<hbm>> -> memref<16x1024xf32, #tpu.memory_space<hbm>>
    tpu.wait_dma2 semaphore(%arg18 : memref<!tpu.dma_semaphore, #tpu.memory_space<semaphore_mem>>) src(%arg6 : memref<16x1024xf32, #tpu.memory_space<vmem>>) dst(%dma_wait3A_124 : memref<16x1024xf32, #tpu.memory_space<hbm>>)
    %dma_start3A_125 = arith.constant 96 : i32
    %dma_start3A_126 = tpu.memref_slice %arg5[%dma_start3A_125] : memref<512xi32, #tpu.memory_space<vmem>> -> memref<16xi32, #tpu.memory_space<vmem>>
    %dma_start3A_127 = arith.constant 0 : i32
    %dma_start3A_128 = arith.constant 0 : i32
    %dma_start3A_129 = tpu.memref_slice %arg2[%dma_start3A_127, %dma_start3A_128] : memref<100000x1024xf32, #tpu.memory_space<hbm>> -> memref<100000x1024xf32, #tpu.memory_space<hbm>>
    tpu.enqueue_indirect_dma source(%dma_start3A_129 : memref<100000x1024xf32, #tpu.memory_space<hbm>>) target(%arg6 : memref<16x1024xf32, #tpu.memory_space<vmem>>) offsets(%dma_start3A_126 : memref<16xi32, #tpu.memory_space<vmem>>) semaphore(%arg12 : memref<!tpu.dma_semaphore, #tpu.memory_space<semaphore_mem>>)
    %dma_wait3A_130 = arith.constant 64 : i32
    %dma_wait3A_131 = tpu.memref_slice %arg5[%dma_wait3A_130] : memref<512xi32, #tpu.memory_space<vmem>> -> memref<16xi32, #tpu.memory_space<vmem>>
    %dma_wait3A_132 = arith.constant 0 : i32
    %dma_wait3A_133 = arith.constant 0 : i32
    %dma_wait3A_134 = tpu.memref_slice %arg2[%dma_wait3A_132, %dma_wait3A_133] : memref<100000x1024xf32, #tpu.memory_space<hbm>> -> memref<100000x1024xf32, #tpu.memory_space<hbm>>
    tpu.wait_indirect_dma semaphore(%arg16 : memref<!tpu.dma_semaphore, #tpu.memory_space<semaphore_mem>>) src(%dma_wait3A_134 : memref<100000x1024xf32, #tpu.memory_space<hbm>>) dst(%arg10 : memref<16x1024xf32, #tpu.memory_space<vmem>>)
    %add3A_135 = arith.constant 64 : i32
    %add3A_136 = arith.addi %mul3A_34, %add3A_135 : i32
    %dma_start3A_137 = arith.constant 0 : i32
    %dma_start3A_138 = tpu.memref_slice %arg4[%select_n3A, %add3A_136, %dma_start3A_137] : memref<4x4096x1024xf32, #tpu.memory_space<hbm>> -> memref<1x16x1024xf32, #tpu.memory_space<hbm>>
    %dma_start3A_139 = tpu.memref_squeeze %dma_start3A_138 : memref<1x16x1024xf32, #tpu.memory_space<hbm>> -> memref<16x1024xf32, #tpu.memory_space<hbm>>
    %dma_start3A_140 = arith.constant 0 : i32
    %dma_start3A_141 = tpu.memref_slice %arg4[%select_n3A, %add3A_136, %dma_start3A_140] : memref<4x4096x1024xf32, #tpu.memory_space<hbm>> -> memref<1x16x1024xf32, #tpu.memory_space<hbm>>
    %dma_start3A_142 = tpu.memref_squeeze %dma_start3A_141 : memref<1x16x1024xf32, #tpu.memory_space<hbm>> -> memref<16x1024xf32, #tpu.memory_space<hbm>>
    tpu.enqueue_dma source(%arg10 : memref<16x1024xf32, #tpu.memory_space<vmem>>) target(%dma_start3A_142 : memref<16x1024xf32, #tpu.memory_space<hbm>>) target_semaphore(%arg22 : memref<!tpu.dma_semaphore, #tpu.memory_space<semaphore_mem>>)
    %add3A_143 = arith.constant 16 : i32
    %add3A_144 = arith.addi %mul3A_34, %add3A_143 : i32
    %dma_wait3A_145 = arith.constant 0 : i32
    %dma_wait3A_146 = tpu.memref_slice %arg4[%select_n3A, %add3A_144, %dma_wait3A_145] : memref<4x4096x1024xf32, #tpu.memory_space<hbm>> -> memref<1x16x1024xf32, #tpu.memory_space<hbm>>
    %dma_wait3A_147 = tpu.memref_squeeze %dma_wait3A_146 : memref<1x16x1024xf32, #tpu.memory_space<hbm>> -> memref<16x1024xf32, #tpu.memory_space<hbm>>
    %dma_wait3A_148 = arith.constant 0 : i32
    %dma_wait3A_149 = tpu.memref_slice %arg4[%select_n3A, %add3A_144, %dma_wait3A_148] : memref<4x4096x1024xf32, #tpu.memory_space<hbm>> -> memref<1x16x1024xf32, #tpu.memory_space<hbm>>
    %dma_wait3A_150 = tpu.memref_squeeze %dma_wait3A_149 : memref<1x16x1024xf32, #tpu.memory_space<hbm>> -> memref<16x1024xf32, #tpu.memory_space<hbm>>
    tpu.wait_dma2 semaphore(%arg19 : memref<!tpu.dma_semaphore, #tpu.memory_space<semaphore_mem>>) src(%arg7 : memref<16x1024xf32, #tpu.memory_space<vmem>>) dst(%dma_wait3A_150 : memref<16x1024xf32, #tpu.memory_space<hbm>>)
    %dma_start3A_151 = arith.constant 112 : i32
    %dma_start3A_152 = tpu.memref_slice %arg5[%dma_start3A_151] : memref<512xi32, #tpu.memory_space<vmem>> -> memref<16xi32, #tpu.memory_space<vmem>>
    %dma_start3A_153 = arith.constant 0 : i32
    %dma_start3A_154 = arith.constant 0 : i32
    %dma_start3A_155 = tpu.memref_slice %arg2[%dma_start3A_153, %dma_start3A_154] : memref<100000x1024xf32, #tpu.memory_space<hbm>> -> memref<100000x1024xf32, #tpu.memory_space<hbm>>
    tpu.enqueue_indirect_dma source(%dma_start3A_155 : memref<100000x1024xf32, #tpu.memory_space<hbm>>) target(%arg7 : memref<16x1024xf32, #tpu.memory_space<vmem>>) offsets(%dma_start3A_152 : memref<16xi32, #tpu.memory_space<vmem>>) semaphore(%arg13 : memref<!tpu.dma_semaphore, #tpu.memory_space<semaphore_mem>>)
    %dma_wait3A_156 = arith.constant 80 : i32
    %dma_wait3A_157 = tpu.memref_slice %arg5[%dma_wait3A_156] : memref<512xi32, #tpu.memory_space<vmem>> -> memref<16xi32, #tpu.memory_space<vmem>>
    %dma_wait3A_158 = arith.constant 0 : i32
    %dma_wait3A_159 = arith.constant 0 : i32
    %dma_wait3A_160 = tpu.memref_slice %arg2[%dma_wait3A_158, %dma_wait3A_159] : memref<100000x1024xf32, #tpu.memory_space<hbm>> -> memref<100000x1024xf32, #tpu.memory_space<hbm>>
    tpu.wait_indirect_dma semaphore(%arg17 : memref<!tpu.dma_semaphore, #tpu.memory_space<semaphore_mem>>) src(%dma_wait3A_160 : memref<100000x1024xf32, #tpu.memory_space<hbm>>) dst(%arg11 : memref<16x1024xf32, #tpu.memory_space<vmem>>)
    %add3A_161 = arith.constant 80 : i32
    %add3A_162 = arith.addi %mul3A_34, %add3A_161 : i32
    %dma_start3A_163 = arith.constant 0 : i32
    %dma_start3A_164 = tpu.memref_slice %arg4[%select_n3A, %add3A_162, %dma_start3A_163] : memref<4x4096x1024xf32, #tpu.memory_space<hbm>> -> memref<1x16x1024xf32, #tpu.memory_space<hbm>>
    %dma_start3A_165 = tpu.memref_squeeze %dma_start3A_164 : memref<1x16x1024xf32, #tpu.memory_space<hbm>> -> memref<16x1024xf32, #tpu.memory_space<hbm>>
    %dma_start3A_166 = arith.constant 0 : i32
    %dma_start3A_167 = tpu.memref_slice %arg4[%select_n3A, %add3A_162, %dma_start3A_166] : memref<4x4096x1024xf32, #tpu.memory_space<hbm>> -> memref<1x16x1024xf32, #tpu.memory_space<hbm>>
    %dma_start3A_168 = tpu.memref_squeeze %dma_start3A_167 : memref<1x16x1024xf32, #tpu.memory_space<hbm>> -> memref<16x1024xf32, #tpu.memory_space<hbm>>
    tpu.enqueue_dma source(%arg11 : memref<16x1024xf32, #tpu.memory_space<vmem>>) target(%dma_start3A_168 : memref<16x1024xf32, #tpu.memory_space<hbm>>) target_semaphore(%arg23 : memref<!tpu.dma_semaphore, #tpu.memory_space<semaphore_mem>>)
    %scan3A = arith.constant 0 : i32
    %scan3A_169 = arith.constant 4 : i32
    %scan3A_170 = arith.addi %scan3A, %scan3A_169 : i32
    %scan3A_171 = arith.constant 1 : i32
    scf.for %scan3A_247 = %scan3A to %scan3A_170 step %scan3A_171  : i32 {
      %mul3A_248 = arith.constant 1 : i32
      %mul3A_249 = arith.muli %scan3A_247, %mul3A_248 : i32
      %add3A_250 = arith.constant 0 : i32
      %add3A_251 = arith.addi %add3A_250, %mul3A_249 : i32
      %mul3A_252 = arith.constant 6 : i32
      %mul3A_253 = arith.muli %add3A_251, %mul3A_252 : i32
      %add3A_254 = arith.constant 6 : i32
      %add3A_255 = arith.addi %add3A_254, %mul3A_253 : i32
      %add3A_256 = arith.constant 0 : i32
      %add3A_257 = arith.addi %add3A_255, %add3A_256 : i32
      %add3A_258 = arith.constant 2 : i32
      %add3A_259 = arith.addi %add3A_257, %add3A_258 : i32
      %sub3A_260 = arith.constant 6 : i32
      %sub3A_261 = arith.subi %add3A_259, %sub3A_260 : i32
      %mul3A_262 = arith.constant 16 : i32
      %mul3A_263 = arith.muli %sub3A_261, %mul3A_262 : i32
      %add3A_264 = arith.addi %mul3A_34, %mul3A_263 : i32
      %dma_wait3A_265 = arith.constant 0 : i32
      %dma_wait3A_266 = tpu.memref_slice %arg4[%select_n3A, %add3A_264, %dma_wait3A_265] : memref<4x4096x1024xf32, #tpu.memory_space<hbm>> -> memref<1x16x1024xf32, #tpu.memory_space<hbm>>
      %dma_wait3A_267 = tpu.memref_squeeze %dma_wait3A_266 : memref<1x16x1024xf32, #tpu.memory_space<hbm>> -> memref<16x1024xf32, #tpu.memory_space<hbm>>
      %dma_wait3A_268 = arith.constant 0 : i32
      %dma_wait3A_269 = tpu.memref_slice %arg4[%select_n3A, %add3A_264, %dma_wait3A_268] : memref<4x4096x1024xf32, #tpu.memory_space<hbm>> -> memref<1x16x1024xf32, #tpu.memory_space<hbm>>
      %dma_wait3A_270 = tpu.memref_squeeze %dma_wait3A_269 : memref<1x16x1024xf32, #tpu.memory_space<hbm>> -> memref<16x1024xf32, #tpu.memory_space<hbm>>
      tpu.wait_dma2 semaphore(%arg20 : memref<!tpu.dma_semaphore, #tpu.memory_space<semaphore_mem>>) src(%arg8 : memref<16x1024xf32, #tpu.memory_space<vmem>>) dst(%dma_wait3A_270 : memref<16x1024xf32, #tpu.memory_space<hbm>>)
      %add3A_271 = arith.constant 2 : i32
      %add3A_272 = arith.addi %add3A_257, %add3A_271 : i32
      %mul3A_273 = arith.constant 16 : i32
      %mul3A_274 = arith.muli %add3A_272, %mul3A_273 : i32
      %dma_start3A_275 = tpu.memref_slice %arg5[%mul3A_274] : memref<512xi32, #tpu.memory_space<vmem>> -> memref<16xi32, #tpu.memory_space<vmem>>
      %dma_start3A_276 = arith.constant 0 : i32
      %dma_start3A_277 = arith.constant 0 : i32
      %dma_start3A_278 = tpu.memref_slice %arg2[%dma_start3A_276, %dma_start3A_277] : memref<100000x1024xf32, #tpu.memory_space<hbm>> -> memref<100000x1024xf32, #tpu.memory_space<hbm>>
      tpu.enqueue_indirect_dma source(%dma_start3A_278 : memref<100000x1024xf32, #tpu.memory_space<hbm>>) target(%arg8 : memref<16x1024xf32, #tpu.memory_space<vmem>>) offsets(%dma_start3A_275 : memref<16xi32, #tpu.memory_space<vmem>>) semaphore(%arg14 : memref<!tpu.dma_semaphore, #tpu.memory_space<semaphore_mem>>)
      %mul3A_279 = arith.constant 16 : i32
      %mul3A_280 = arith.muli %add3A_257, %mul3A_279 : i32
      %dma_wait3A_281 = tpu.memref_slice %arg5[%mul3A_280] : memref<512xi32, #tpu.memory_space<vmem>> -> memref<16xi32, #tpu.memory_space<vmem>>
      %dma_wait3A_282 = arith.constant 0 : i32
      %dma_wait3A_283 = arith.constant 0 : i32
      %dma_wait3A_284 = tpu.memref_slice %arg2[%dma_wait3A_282, %dma_wait3A_283] : memref<100000x1024xf32, #tpu.memory_space<hbm>> -> memref<100000x1024xf32, #tpu.memory_space<hbm>>
      tpu.wait_indirect_dma semaphore(%arg12 : memref<!tpu.dma_semaphore, #tpu.memory_space<semaphore_mem>>) src(%dma_wait3A_284 : memref<100000x1024xf32, #tpu.memory_space<hbm>>) dst(%arg6 : memref<16x1024xf32, #tpu.memory_space<vmem>>)
      %mul3A_285 = arith.constant 16 : i32
      %mul3A_286 = arith.muli %add3A_257, %mul3A_285 : i32
      %add3A_287 = arith.addi %mul3A_34, %mul3A_286 : i32
      %dma_start3A_288 = arith.constant 0 : i32
      %dma_start3A_289 = tpu.memref_slice %arg4[%select_n3A, %add3A_287, %dma_start3A_288] : memref<4x4096x1024xf32, #tpu.memory_space<hbm>> -> memref<1x16x1024xf32, #tpu.memory_space<hbm>>
      %dma_start3A_290 = tpu.memref_squeeze %dma_start3A_289 : memref<1x16x1024xf32, #tpu.memory_space<hbm>> -> memref<16x1024xf32, #tpu.memory_space<hbm>>
      %dma_start3A_291 = arith.constant 0 : i32
      %dma_start3A_292 = tpu.memref_slice %arg4[%select_n3A, %add3A_287, %dma_start3A_291] : memref<4x4096x1024xf32, #tpu.memory_space<hbm>> -> memref<1x16x1024xf32, #tpu.memory_space<hbm>>
      %dma_start3A_293 = tpu.memref_squeeze %dma_start3A_292 : memref<1x16x1024xf32, #tpu.memory_space<hbm>> -> memref<16x1024xf32, #tpu.memory_space<hbm>>
      tpu.enqueue_dma source(%arg6 : memref<16x1024xf32, #tpu.memory_space<vmem>>) target(%dma_start3A_293 : memref<16x1024xf32, #tpu.memory_space<hbm>>) target_semaphore(%arg18 : memref<!tpu.dma_semaphore, #tpu.memory_space<semaphore_mem>>)
      %add3A_294 = arith.constant 1 : i32
      %add3A_295 = arith.addi %add3A_255, %add3A_294 : i32
      %add3A_296 = arith.constant 2 : i32
      %add3A_297 = arith.addi %add3A_295, %add3A_296 : i32
      %sub3A_298 = arith.constant 6 : i32
      %sub3A_299 = arith.subi %add3A_297, %sub3A_298 : i32
      %mul3A_300 = arith.constant 16 : i32
      %mul3A_301 = arith.muli %sub3A_299, %mul3A_300 : i32
      %add3A_302 = arith.addi %mul3A_34, %mul3A_301 : i32
      %dma_wait3A_303 = arith.constant 0 : i32
      %dma_wait3A_304 = tpu.memref_slice %arg4[%select_n3A, %add3A_302, %dma_wait3A_303] : memref<4x4096x1024xf32, #tpu.memory_space<hbm>> -> memref<1x16x1024xf32, #tpu.memory_space<hbm>>
      %dma_wait3A_305 = tpu.memref_squeeze %dma_wait3A_304 : memref<1x16x1024xf32, #tpu.memory_space<hbm>> -> memref<16x1024xf32, #tpu.memory_space<hbm>>
      %dma_wait3A_306 = arith.constant 0 : i32
      %dma_wait3A_307 = tpu.memref_slice %arg4[%select_n3A, %add3A_302, %dma_wait3A_306] : memref<4x4096x1024xf32, #tpu.memory_space<hbm>> -> memref<1x16x1024xf32, #tpu.memory_space<hbm>>
      %dma_wait3A_308 = tpu.memref_squeeze %dma_wait3A_307 : memref<1x16x1024xf32, #tpu.memory_space<hbm>> -> memref<16x1024xf32, #tpu.memory_space<hbm>>
      tpu.wait_dma2 semaphore(%arg21 : memref<!tpu.dma_semaphore, #tpu.memory_space<semaphore_mem>>) src(%arg9 : memref<16x1024xf32, #tpu.memory_space<vmem>>) dst(%dma_wait3A_308 : memref<16x1024xf32, #tpu.memory_space<hbm>>)
      %add3A_309 = arith.constant 2 : i32
      %add3A_310 = arith.addi %add3A_295, %add3A_309 : i32
      %mul3A_311 = arith.constant 16 : i32
      %mul3A_312 = arith.muli %add3A_310, %mul3A_311 : i32
      %dma_start3A_313 = tpu.memref_slice %arg5[%mul3A_312] : memref<512xi32, #tpu.memory_space<vmem>> -> memref<16xi32, #tpu.memory_space<vmem>>
      %dma_start3A_314 = arith.constant 0 : i32
      %dma_start3A_315 = arith.constant 0 : i32
      %dma_start3A_316 = tpu.memref_slice %arg2[%dma_start3A_314, %dma_start3A_315] : memref<100000x1024xf32, #tpu.memory_space<hbm>> -> memref<100000x1024xf32, #tpu.memory_space<hbm>>
      tpu.enqueue_indirect_dma source(%dma_start3A_316 : memref<100000x1024xf32, #tpu.memory_space<hbm>>) target(%arg9 : memref<16x1024xf32, #tpu.memory_space<vmem>>) offsets(%dma_start3A_313 : memref<16xi32, #tpu.memory_space<vmem>>) semaphore(%arg15 : memref<!tpu.dma_semaphore, #tpu.memory_space<semaphore_mem>>)
      %mul3A_317 = arith.constant 16 : i32
      %mul3A_318 = arith.muli %add3A_295, %mul3A_317 : i32
      %dma_wait3A_319 = tpu.memref_slice %arg5[%mul3A_318] : memref<512xi32, #tpu.memory_space<vmem>> -> memref<16xi32, #tpu.memory_space<vmem>>
      %dma_wait3A_320 = arith.constant 0 : i32
      %dma_wait3A_321 = arith.constant 0 : i32
      %dma_wait3A_322 = tpu.memref_slice %arg2[%dma_wait3A_320, %dma_wait3A_321] : memref<100000x1024xf32, #tpu.memory_space<hbm>> -> memref<100000x1024xf32, #tpu.memory_space<hbm>>
      tpu.wait_indirect_dma semaphore(%arg13 : memref<!tpu.dma_semaphore, #tpu.memory_space<semaphore_mem>>) src(%dma_wait3A_322 : memref<100000x1024xf32, #tpu.memory_space<hbm>>) dst(%arg7 : memref<16x1024xf32, #tpu.memory_space<vmem>>)
      %mul3A_323 = arith.constant 16 : i32
      %mul3A_324 = arith.muli %add3A_295, %mul3A_323 : i32
      %add3A_325 = arith.addi %mul3A_34, %mul3A_324 : i32
      %dma_start3A_326 = arith.constant 0 : i32
      %dma_start3A_327 = tpu.memref_slice %arg4[%select_n3A, %add3A_325, %dma_start3A_326] : memref<4x4096x1024xf32, #tpu.memory_space<hbm>> -> memref<1x16x1024xf32, #tpu.memory_space<hbm>>
      %dma_start3A_328 = tpu.memref_squeeze %dma_start3A_327 : memref<1x16x1024xf32, #tpu.memory_space<hbm>> -> memref<16x1024xf32, #tpu.memory_space<hbm>>
      %dma_start3A_329 = arith.constant 0 : i32
      %dma_start3A_330 = tpu.memref_slice %arg4[%select_n3A, %add3A_325, %dma_start3A_329] : memref<4x4096x1024xf32, #tpu.memory_space<hbm>> -> memref<1x16x1024xf32, #tpu.memory_space<hbm>>
      %dma_start3A_331 = tpu.memref_squeeze %dma_start3A_330 : memref<1x16x1024xf32, #tpu.memory_space<hbm>> -> memref<16x1024xf32, #tpu.memory_space<hbm>>
      tpu.enqueue_dma source(%arg7 : memref<16x1024xf32, #tpu.memory_space<vmem>>) target(%dma_start3A_331 : memref<16x1024xf32, #tpu.memory_space<hbm>>) target_semaphore(%arg19 : memref<!tpu.dma_semaphore, #tpu.memory_space<semaphore_mem>>)
      %add3A_332 = arith.constant 2 : i32
      %add3A_333 = arith.addi %add3A_255, %add3A_332 : i32
      %add3A_334 = arith.constant 2 : i32
      %add3A_335 = arith.addi %add3A_333, %add3A_334 : i32
      %sub3A_336 = arith.constant 6 : i32
      %sub3A_337 = arith.subi %add3A_335, %sub3A_336 : i32
      %mul3A_338 = arith.constant 16 : i32
      %mul3A_339 = arith.muli %sub3A_337, %mul3A_338 : i32
      %add3A_340 = arith.addi %mul3A_34, %mul3A_339 : i32
      %dma_wait3A_341 = arith.constant 0 : i32
      %dma_wait3A_342 = tpu.memref_slice %arg4[%select_n3A, %add3A_340, %dma_wait3A_341] : memref<4x4096x1024xf32, #tpu.memory_space<hbm>> -> memref<1x16x1024xf32, #tpu.memory_space<hbm>>
      %dma_wait3A_343 = tpu.memref_squeeze %dma_wait3A_342 : memref<1x16x1024xf32, #tpu.memory_space<hbm>> -> memref<16x1024xf32, #tpu.memory_space<hbm>>
      %dma_wait3A_344 = arith.constant 0 : i32
      %dma_wait3A_345 = tpu.memref_slice %arg4[%select_n3A, %add3A_340, %dma_wait3A_344] : memref<4x4096x1024xf32, #tpu.memory_space<hbm>> -> memref<1x16x1024xf32, #tpu.memory_space<hbm>>
      %dma_wait3A_346 = tpu.memref_squeeze %dma_wait3A_345 : memref<1x16x1024xf32, #tpu.memory_space<hbm>> -> memref<16x1024xf32, #tpu.memory_space<hbm>>
      tpu.wait_dma2 semaphore(%arg22 : memref<!tpu.dma_semaphore, #tpu.memory_space<semaphore_mem>>) src(%arg10 : memref<16x1024xf32, #tpu.memory_space<vmem>>) dst(%dma_wait3A_346 : memref<16x1024xf32, #tpu.memory_space<hbm>>)
      %add3A_347 = arith.constant 2 : i32
      %add3A_348 = arith.addi %add3A_333, %add3A_347 : i32
      %mul3A_349 = arith.constant 16 : i32
      %mul3A_350 = arith.muli %add3A_348, %mul3A_349 : i32
      %dma_start3A_351 = tpu.memref_slice %arg5[%mul3A_350] : memref<512xi32, #tpu.memory_space<vmem>> -> memref<16xi32, #tpu.memory_space<vmem>>
      %dma_start3A_352 = arith.constant 0 : i32
      %dma_start3A_353 = arith.constant 0 : i32
      %dma_start3A_354 = tpu.memref_slice %arg2[%dma_start3A_352, %dma_start3A_353] : memref<100000x1024xf32, #tpu.memory_space<hbm>> -> memref<100000x1024xf32, #tpu.memory_space<hbm>>
      tpu.enqueue_indirect_dma source(%dma_start3A_354 : memref<100000x1024xf32, #tpu.memory_space<hbm>>) target(%arg10 : memref<16x1024xf32, #tpu.memory_space<vmem>>) offsets(%dma_start3A_351 : memref<16xi32, #tpu.memory_space<vmem>>) semaphore(%arg16 : memref<!tpu.dma_semaphore, #tpu.memory_space<semaphore_mem>>)
      %mul3A_355 = arith.constant 16 : i32
      %mul3A_356 = arith.muli %add3A_333, %mul3A_355 : i32
      %dma_wait3A_357 = tpu.memref_slice %arg5[%mul3A_356] : memref<512xi32, #tpu.memory_space<vmem>> -> memref<16xi32, #tpu.memory_space<vmem>>
      %dma_wait3A_358 = arith.constant 0 : i32
      %dma_wait3A_359 = arith.constant 0 : i32
      %dma_wait3A_360 = tpu.memref_slice %arg2[%dma_wait3A_358, %dma_wait3A_359] : memref<100000x1024xf32, #tpu.memory_space<hbm>> -> memref<100000x1024xf32, #tpu.memory_space<hbm>>
      tpu.wait_indirect_dma semaphore(%arg14 : memref<!tpu.dma_semaphore, #tpu.memory_space<semaphore_mem>>) src(%dma_wait3A_360 : memref<100000x1024xf32, #tpu.memory_space<hbm>>) dst(%arg8 : memref<16x1024xf32, #tpu.memory_space<vmem>>)
      %mul3A_361 = arith.constant 16 : i32
      %mul3A_362 = arith.muli %add3A_333, %mul3A_361 : i32
      %add3A_363 = arith.addi %mul3A_34, %mul3A_362 : i32
      %dma_start3A_364 = arith.constant 0 : i32
      %dma_start3A_365 = tpu.memref_slice %arg4[%select_n3A, %add3A_363, %dma_start3A_364] : memref<4x4096x1024xf32, #tpu.memory_space<hbm>> -> memref<1x16x1024xf32, #tpu.memory_space<hbm>>
      %dma_start3A_366 = tpu.memref_squeeze %dma_start3A_365 : memref<1x16x1024xf32, #tpu.memory_space<hbm>> -> memref<16x1024xf32, #tpu.memory_space<hbm>>
      %dma_start3A_367 = arith.constant 0 : i32
      %dma_start3A_368 = tpu.memref_slice %arg4[%select_n3A, %add3A_363, %dma_start3A_367] : memref<4x4096x1024xf32, #tpu.memory_space<hbm>> -> memref<1x16x1024xf32, #tpu.memory_space<hbm>>
      %dma_start3A_369 = tpu.memref_squeeze %dma_start3A_368 : memref<1x16x1024xf32, #tpu.memory_space<hbm>> -> memref<16x1024xf32, #tpu.memory_space<hbm>>
      tpu.enqueue_dma source(%arg8 : memref<16x1024xf32, #tpu.memory_space<vmem>>) target(%dma_start3A_369 : memref<16x1024xf32, #tpu.memory_space<hbm>>) target_semaphore(%arg20 : memref<!tpu.dma_semaphore, #tpu.memory_space<semaphore_mem>>)
      %add3A_370 = arith.constant 3 : i32
      %add3A_371 = arith.addi %add3A_255, %add3A_370 : i32
      %add3A_372 = arith.constant 2 : i32
      %add3A_373 = arith.addi %add3A_371, %add3A_372 : i32
      %sub3A_374 = arith.constant 6 : i32
      %sub3A_375 = arith.subi %add3A_373, %sub3A_374 : i32
      %mul3A_376 = arith.constant 16 : i32
      %mul3A_377 = arith.muli %sub3A_375, %mul3A_376 : i32
      %add3A_378 = arith.addi %mul3A_34, %mul3A_377 : i32
      %dma_wait3A_379 = arith.constant 0 : i32
      %dma_wait3A_380 = tpu.memref_slice %arg4[%select_n3A, %add3A_378, %dma_wait3A_379] : memref<4x4096x1024xf32, #tpu.memory_space<hbm>> -> memref<1x16x1024xf32, #tpu.memory_space<hbm>>
      %dma_wait3A_381 = tpu.memref_squeeze %dma_wait3A_380 : memref<1x16x1024xf32, #tpu.memory_space<hbm>> -> memref<16x1024xf32, #tpu.memory_space<hbm>>
      %dma_wait3A_382 = arith.constant 0 : i32
      %dma_wait3A_383 = tpu.memref_slice %arg4[%select_n3A, %add3A_378, %dma_wait3A_382] : memref<4x4096x1024xf32, #tpu.memory_space<hbm>> -> memref<1x16x1024xf32, #tpu.memory_space<hbm>>
      %dma_wait3A_384 = tpu.memref_squeeze %dma_wait3A_383 : memref<1x16x1024xf32, #tpu.memory_space<hbm>> -> memref<16x1024xf32, #tpu.memory_space<hbm>>
      tpu.wait_dma2 semaphore(%arg23 : memref<!tpu.dma_semaphore, #tpu.memory_space<semaphore_mem>>) src(%arg11 : memref<16x1024xf32, #tpu.memory_space<vmem>>) dst(%dma_wait3A_384 : memref<16x1024xf32, #tpu.memory_space<hbm>>)
      %add3A_385 = arith.constant 2 : i32
      %add3A_386 = arith.addi %add3A_371, %add3A_385 : i32
      %mul3A_387 = arith.constant 16 : i32
      %mul3A_388 = arith.muli %add3A_386, %mul3A_387 : i32
      %dma_start3A_389 = tpu.memref_slice %arg5[%mul3A_388] : memref<512xi32, #tpu.memory_space<vmem>> -> memref<16xi32, #tpu.memory_space<vmem>>
      %dma_start3A_390 = arith.constant 0 : i32
      %dma_start3A_391 = arith.constant 0 : i32
      %dma_start3A_392 = tpu.memref_slice %arg2[%dma_start3A_390, %dma_start3A_391] : memref<100000x1024xf32, #tpu.memory_space<hbm>> -> memref<100000x1024xf32, #tpu.memory_space<hbm>>
      tpu.enqueue_indirect_dma source(%dma_start3A_392 : memref<100000x1024xf32, #tpu.memory_space<hbm>>) target(%arg11 : memref<16x1024xf32, #tpu.memory_space<vmem>>) offsets(%dma_start3A_389 : memref<16xi32, #tpu.memory_space<vmem>>) semaphore(%arg17 : memref<!tpu.dma_semaphore, #tpu.memory_space<semaphore_mem>>)
      %mul3A_393 = arith.constant 16 : i32
      %mul3A_394 = arith.muli %add3A_371, %mul3A_393 : i32
      %dma_wait3A_395 = tpu.memref_slice %arg5[%mul3A_394] : memref<512xi32, #tpu.memory_space<vmem>> -> memref<16xi32, #tpu.memory_space<vmem>>
      %dma_wait3A_396 = arith.constant 0 : i32
      %dma_wait3A_397 = arith.constant 0 : i32
      %dma_wait3A_398 = tpu.memref_slice %arg2[%dma_wait3A_396, %dma_wait3A_397] : memref<100000x1024xf32, #tpu.memory_space<hbm>> -> memref<100000x1024xf32, #tpu.memory_space<hbm>>
      tpu.wait_indirect_dma semaphore(%arg15 : memref<!tpu.dma_semaphore, #tpu.memory_space<semaphore_mem>>) src(%dma_wait3A_398 : memref<100000x1024xf32, #tpu.memory_space<hbm>>) dst(%arg9 : memref<16x1024xf32, #tpu.memory_space<vmem>>)
      %mul3A_399 = arith.constant 16 : i32
      %mul3A_400 = arith.muli %add3A_371, %mul3A_399 : i32
      %add3A_401 = arith.addi %mul3A_34, %mul3A_400 : i32
      %dma_start3A_402 = arith.constant 0 : i32
      %dma_start3A_403 = tpu.memref_slice %arg4[%select_n3A, %add3A_401, %dma_start3A_402] : memref<4x4096x1024xf32, #tpu.memory_space<hbm>> -> memref<1x16x1024xf32, #tpu.memory_space<hbm>>
      %dma_start3A_404 = tpu.memref_squeeze %dma_start3A_403 : memref<1x16x1024xf32, #tpu.memory_space<hbm>> -> memref<16x1024xf32, #tpu.memory_space<hbm>>
      %dma_start3A_405 = arith.constant 0 : i32
      %dma_start3A_406 = tpu.memref_slice %arg4[%select_n3A, %add3A_401, %dma_start3A_405] : memref<4x4096x1024xf32, #tpu.memory_space<hbm>> -> memref<1x16x1024xf32, #tpu.memory_space<hbm>>
      %dma_start3A_407 = tpu.memref_squeeze %dma_start3A_406 : memref<1x16x1024xf32, #tpu.memory_space<hbm>> -> memref<16x1024xf32, #tpu.memory_space<hbm>>
      tpu.enqueue_dma source(%arg9 : memref<16x1024xf32, #tpu.memory_space<vmem>>) target(%dma_start3A_407 : memref<16x1024xf32, #tpu.memory_space<hbm>>) target_semaphore(%arg21 : memref<!tpu.dma_semaphore, #tpu.memory_space<semaphore_mem>>)
      %add3A_408 = arith.constant 4 : i32
      %add3A_409 = arith.addi %add3A_255, %add3A_408 : i32
      %add3A_410 = arith.constant 2 : i32
      %add3A_411 = arith.addi %add3A_409, %add3A_410 : i32
      %sub3A_412 = arith.constant 6 : i32
      %sub3A_413 = arith.subi %add3A_411, %sub3A_412 : i32
      %mul3A_414 = arith.constant 16 : i32
      %mul3A_415 = arith.muli %sub3A_413, %mul3A_414 : i32
      %add3A_416 = arith.addi %mul3A_34, %mul3A_415 : i32
      %dma_wait3A_417 = arith.constant 0 : i32
      %dma_wait3A_418 = tpu.memref_slice %arg4[%select_n3A, %add3A_416, %dma_wait3A_417] : memref<4x4096x1024xf32, #tpu.memory_space<hbm>> -> memref<1x16x1024xf32, #tpu.memory_space<hbm>>
      %dma_wait3A_419 = tpu.memref_squeeze %dma_wait3A_418 : memref<1x16x1024xf32, #tpu.memory_space<hbm>> -> memref<16x1024xf32, #tpu.memory_space<hbm>>
      %dma_wait3A_420 = arith.constant 0 : i32
      %dma_wait3A_421 = tpu.memref_slice %arg4[%select_n3A, %add3A_416, %dma_wait3A_420] : memref<4x4096x1024xf32, #tpu.memory_space<hbm>> -> memref<1x16x1024xf32, #tpu.memory_space<hbm>>
      %dma_wait3A_422 = tpu.memref_squeeze %dma_wait3A_421 : memref<1x16x1024xf32, #tpu.memory_space<hbm>> -> memref<16x1024xf32, #tpu.memory_space<hbm>>
      tpu.wait_dma2 semaphore(%arg18 : memref<!tpu.dma_semaphore, #tpu.memory_space<semaphore_mem>>) src(%arg6 : memref<16x1024xf32, #tpu.memory_space<vmem>>) dst(%dma_wait3A_422 : memref<16x1024xf32, #tpu.memory_space<hbm>>)
      %add3A_423 = arith.constant 2 : i32
      %add3A_424 = arith.addi %add3A_409, %add3A_423 : i32
      %mul3A_425 = arith.constant 16 : i32
      %mul3A_426 = arith.muli %add3A_424, %mul3A_425 : i32
      %dma_start3A_427 = tpu.memref_slice %arg5[%mul3A_426] : memref<512xi32, #tpu.memory_space<vmem>> -> memref<16xi32, #tpu.memory_space<vmem>>
      %dma_start3A_428 = arith.constant 0 : i32
      %dma_start3A_429 = arith.constant 0 : i32
      %dma_start3A_430 = tpu.memref_slice %arg2[%dma_start3A_428, %dma_start3A_429] : memref<100000x1024xf32, #tpu.memory_space<hbm>> -> memref<100000x1024xf32, #tpu.memory_space<hbm>>
      tpu.enqueue_indirect_dma source(%dma_start3A_430 : memref<100000x1024xf32, #tpu.memory_space<hbm>>) target(%arg6 : memref<16x1024xf32, #tpu.memory_space<vmem>>) offsets(%dma_start3A_427 : memref<16xi32, #tpu.memory_space<vmem>>) semaphore(%arg12 : memref<!tpu.dma_semaphore, #tpu.memory_space<semaphore_mem>>)
      %mul3A_431 = arith.constant 16 : i32
      %mul3A_432 = arith.muli %add3A_409, %mul3A_431 : i32
      %dma_wait3A_433 = tpu.memref_slice %arg5[%mul3A_432] : memref<512xi32, #tpu.memory_space<vmem>> -> memref<16xi32, #tpu.memory_space<vmem>>
      %dma_wait3A_434 = arith.constant 0 : i32
      %dma_wait3A_435 = arith.constant 0 : i32
      %dma_wait3A_436 = tpu.memref_slice %arg2[%dma_wait3A_434, %dma_wait3A_435] : memref<100000x1024xf32, #tpu.memory_space<hbm>> -> memref<100000x1024xf32, #tpu.memory_space<hbm>>
      tpu.wait_indirect_dma semaphore(%arg16 : memref<!tpu.dma_semaphore, #tpu.memory_space<semaphore_mem>>) src(%dma_wait3A_436 : memref<100000x1024xf32, #tpu.memory_space<hbm>>) dst(%arg10 : memref<16x1024xf32, #tpu.memory_space<vmem>>)
      %mul3A_437 = arith.constant 16 : i32
      %mul3A_438 = arith.muli %add3A_409, %mul3A_437 : i32
      %add3A_439 = arith.addi %mul3A_34, %mul3A_438 : i32
      %dma_start3A_440 = arith.constant 0 : i32
      %dma_start3A_441 = tpu.memref_slice %arg4[%select_n3A, %add3A_439, %dma_start3A_440] : memref<4x4096x1024xf32, #tpu.memory_space<hbm>> -> memref<1x16x1024xf32, #tpu.memory_space<hbm>>
      %dma_start3A_442 = tpu.memref_squeeze %dma_start3A_441 : memref<1x16x1024xf32, #tpu.memory_space<hbm>> -> memref<16x1024xf32, #tpu.memory_space<hbm>>
      %dma_start3A_443 = arith.constant 0 : i32
      %dma_start3A_444 = tpu.memref_slice %arg4[%select_n3A, %add3A_439, %dma_start3A_443] : memref<4x4096x1024xf32, #tpu.memory_space<hbm>> -> memref<1x16x1024xf32, #tpu.memory_space<hbm>>
      %dma_start3A_445 = tpu.memref_squeeze %dma_start3A_444 : memref<1x16x1024xf32, #tpu.memory_space<hbm>> -> memref<16x1024xf32, #tpu.memory_space<hbm>>
      tpu.enqueue_dma source(%arg10 : memref<16x1024xf32, #tpu.memory_space<vmem>>) target(%dma_start3A_445 : memref<16x1024xf32, #tpu.memory_space<hbm>>) target_semaphore(%arg22 : memref<!tpu.dma_semaphore, #tpu.memory_space<semaphore_mem>>)
      %add3A_446 = arith.constant 5 : i32
      %add3A_447 = arith.addi %add3A_255, %add3A_446 : i32
      %add3A_448 = arith.constant 2 : i32
      %add3A_449 = arith.addi %add3A_447, %add3A_448 : i32
      %sub3A_450 = arith.constant 6 : i32
      %sub3A_451 = arith.subi %add3A_449, %sub3A_450 : i32
      %mul3A_452 = arith.constant 16 : i32
      %mul3A_453 = arith.muli %sub3A_451, %mul3A_452 : i32
      %add3A_454 = arith.addi %mul3A_34, %mul3A_453 : i32
      %dma_wait3A_455 = arith.constant 0 : i32
      %dma_wait3A_456 = tpu.memref_slice %arg4[%select_n3A, %add3A_454, %dma_wait3A_455] : memref<4x4096x1024xf32, #tpu.memory_space<hbm>> -> memref<1x16x1024xf32, #tpu.memory_space<hbm>>
      %dma_wait3A_457 = tpu.memref_squeeze %dma_wait3A_456 : memref<1x16x1024xf32, #tpu.memory_space<hbm>> -> memref<16x1024xf32, #tpu.memory_space<hbm>>
      %dma_wait3A_458 = arith.constant 0 : i32
      %dma_wait3A_459 = tpu.memref_slice %arg4[%select_n3A, %add3A_454, %dma_wait3A_458] : memref<4x4096x1024xf32, #tpu.memory_space<hbm>> -> memref<1x16x1024xf32, #tpu.memory_space<hbm>>
      %dma_wait3A_460 = tpu.memref_squeeze %dma_wait3A_459 : memref<1x16x1024xf32, #tpu.memory_space<hbm>> -> memref<16x1024xf32, #tpu.memory_space<hbm>>
      tpu.wait_dma2 semaphore(%arg19 : memref<!tpu.dma_semaphore, #tpu.memory_space<semaphore_mem>>) src(%arg7 : memref<16x1024xf32, #tpu.memory_space<vmem>>) dst(%dma_wait3A_460 : memref<16x1024xf32, #tpu.memory_space<hbm>>)
      %add3A_461 = arith.constant 2 : i32
      %add3A_462 = arith.addi %add3A_447, %add3A_461 : i32
      %mul3A_463 = arith.constant 16 : i32
      %mul3A_464 = arith.muli %add3A_462, %mul3A_463 : i32
      %dma_start3A_465 = tpu.memref_slice %arg5[%mul3A_464] : memref<512xi32, #tpu.memory_space<vmem>> -> memref<16xi32, #tpu.memory_space<vmem>>
      %dma_start3A_466 = arith.constant 0 : i32
      %dma_start3A_467 = arith.constant 0 : i32
      %dma_start3A_468 = tpu.memref_slice %arg2[%dma_start3A_466, %dma_start3A_467] : memref<100000x1024xf32, #tpu.memory_space<hbm>> -> memref<100000x1024xf32, #tpu.memory_space<hbm>>
      tpu.enqueue_indirect_dma source(%dma_start3A_468 : memref<100000x1024xf32, #tpu.memory_space<hbm>>) target(%arg7 : memref<16x1024xf32, #tpu.memory_space<vmem>>) offsets(%dma_start3A_465 : memref<16xi32, #tpu.memory_space<vmem>>) semaphore(%arg13 : memref<!tpu.dma_semaphore, #tpu.memory_space<semaphore_mem>>)
      %mul3A_469 = arith.constant 16 : i32
      %mul3A_470 = arith.muli %add3A_447, %mul3A_469 : i32
      %dma_wait3A_471 = tpu.memref_slice %arg5[%mul3A_470] : memref<512xi32, #tpu.memory_space<vmem>> -> memref<16xi32, #tpu.memory_space<vmem>>
      %dma_wait3A_472 = arith.constant 0 : i32
      %dma_wait3A_473 = arith.constant 0 : i32
      %dma_wait3A_474 = tpu.memref_slice %arg2[%dma_wait3A_472, %dma_wait3A_473] : memref<100000x1024xf32, #tpu.memory_space<hbm>> -> memref<100000x1024xf32, #tpu.memory_space<hbm>>
      tpu.wait_indirect_dma semaphore(%arg17 : memref<!tpu.dma_semaphore, #tpu.memory_space<semaphore_mem>>) src(%dma_wait3A_474 : memref<100000x1024xf32, #tpu.memory_space<hbm>>) dst(%arg11 : memref<16x1024xf32, #tpu.memory_space<vmem>>)
      %mul3A_475 = arith.constant 16 : i32
      %mul3A_476 = arith.muli %add3A_447, %mul3A_475 : i32
      %add3A_477 = arith.addi %mul3A_34, %mul3A_476 : i32
      %dma_start3A_478 = arith.constant 0 : i32
      %dma_start3A_479 = tpu.memref_slice %arg4[%select_n3A, %add3A_477, %dma_start3A_478] : memref<4x4096x1024xf32, #tpu.memory_space<hbm>> -> memref<1x16x1024xf32, #tpu.memory_space<hbm>>
      %dma_start3A_480 = tpu.memref_squeeze %dma_start3A_479 : memref<1x16x1024xf32, #tpu.memory_space<hbm>> -> memref<16x1024xf32, #tpu.memory_space<hbm>>
      %dma_start3A_481 = arith.constant 0 : i32
      %dma_start3A_482 = tpu.memref_slice %arg4[%select_n3A, %add3A_477, %dma_start3A_481] : memref<4x4096x1024xf32, #tpu.memory_space<hbm>> -> memref<1x16x1024xf32, #tpu.memory_space<hbm>>
      %dma_start3A_483 = tpu.memref_squeeze %dma_start3A_482 : memref<1x16x1024xf32, #tpu.memory_space<hbm>> -> memref<16x1024xf32, #tpu.memory_space<hbm>>
      tpu.enqueue_dma source(%arg11 : memref<16x1024xf32, #tpu.memory_space<vmem>>) target(%dma_start3A_483 : memref<16x1024xf32, #tpu.memory_space<hbm>>) target_semaphore(%arg23 : memref<!tpu.dma_semaphore, #tpu.memory_space<semaphore_mem>>)
    }
    %scan3A_172 = arith.constant 4 : i32
    %add3A_173 = arith.constant 416 : i32
    %add3A_174 = arith.addi %mul3A_34, %add3A_173 : i32
    %dma_wait3A_175 = arith.constant 0 : i32
    %dma_wait3A_176 = tpu.memref_slice %arg4[%select_n3A, %add3A_174, %dma_wait3A_175] : memref<4x4096x1024xf32, #tpu.memory_space<hbm>> -> memref<1x16x1024xf32, #tpu.memory_space<hbm>>
    %dma_wait3A_177 = tpu.memref_squeeze %dma_wait3A_176 : memref<1x16x1024xf32, #tpu.memory_space<hbm>> -> memref<16x1024xf32, #tpu.memory_space<hbm>>
    %dma_wait3A_178 = arith.constant 0 : i32
    %dma_wait3A_179 = tpu.memref_slice %arg4[%select_n3A, %add3A_174, %dma_wait3A_178] : memref<4x4096x1024xf32, #tpu.memory_space<hbm>> -> memref<1x16x1024xf32, #tpu.memory_space<hbm>>
    %dma_wait3A_180 = tpu.memref_squeeze %dma_wait3A_179 : memref<1x16x1024xf32, #tpu.memory_space<hbm>> -> memref<16x1024xf32, #tpu.memory_space<hbm>>
    tpu.wait_dma2 semaphore(%arg20 : memref<!tpu.dma_semaphore, #tpu.memory_space<semaphore_mem>>) src(%arg8 : memref<16x1024xf32, #tpu.memory_space<vmem>>) dst(%dma_wait3A_180 : memref<16x1024xf32, #tpu.memory_space<hbm>>)
    %dma_wait3A_181 = arith.constant 480 : i32
    %dma_wait3A_182 = tpu.memref_slice %arg5[%dma_wait3A_181] : memref<512xi32, #tpu.memory_space<vmem>> -> memref<16xi32, #tpu.memory_space<vmem>>
    %dma_wait3A_183 = arith.constant 0 : i32
    %dma_wait3A_184 = arith.constant 0 : i32
    %dma_wait3A_185 = tpu.memref_slice %arg2[%dma_wait3A_183, %dma_wait3A_184] : memref<100000x1024xf32, #tpu.memory_space<hbm>> -> memref<100000x1024xf32, #tpu.memory_space<hbm>>
    tpu.wait_indirect_dma semaphore(%arg12 : memref<!tpu.dma_semaphore, #tpu.memory_space<semaphore_mem>>) src(%dma_wait3A_185 : memref<100000x1024xf32, #tpu.memory_space<hbm>>) dst(%arg6 : memref<16x1024xf32, #tpu.memory_space<vmem>>)
    %add3A_186 = arith.constant 480 : i32
    %add3A_187 = arith.addi %mul3A_34, %add3A_186 : i32
    %dma_start3A_188 = arith.constant 0 : i32
    %dma_start3A_189 = tpu.memref_slice %arg4[%select_n3A, %add3A_187, %dma_start3A_188] : memref<4x4096x1024xf32, #tpu.memory_space<hbm>> -> memref<1x16x1024xf32, #tpu.memory_space<hbm>>
    %dma_start3A_190 = tpu.memref_squeeze %dma_start3A_189 : memref<1x16x1024xf32, #tpu.memory_space<hbm>> -> memref<16x1024xf32, #tpu.memory_space<hbm>>
    %dma_start3A_191 = arith.constant 0 : i32
    %dma_start3A_192 = tpu.memref_slice %arg4[%select_n3A, %add3A_187, %dma_start3A_191] : memref<4x4096x1024xf32, #tpu.memory_space<hbm>> -> memref<1x16x1024xf32, #tpu.memory_space<hbm>>
    %dma_start3A_193 = tpu.memref_squeeze %dma_start3A_192 : memref<1x16x1024xf32, #tpu.memory_space<hbm>> -> memref<16x1024xf32, #tpu.memory_space<hbm>>
    tpu.enqueue_dma source(%arg6 : memref<16x1024xf32, #tpu.memory_space<vmem>>) target(%dma_start3A_193 : memref<16x1024xf32, #tpu.memory_space<hbm>>) target_semaphore(%arg18 : memref<!tpu.dma_semaphore, #tpu.memory_space<semaphore_mem>>)
    %add3A_194 = arith.constant 432 : i32
    %add3A_195 = arith.addi %mul3A_34, %add3A_194 : i32
    %dma_wait3A_196 = arith.constant 0 : i32
    %dma_wait3A_197 = tpu.memref_slice %arg4[%select_n3A, %add3A_195, %dma_wait3A_196] : memref<4x4096x1024xf32, #tpu.memory_space<hbm>> -> memref<1x16x1024xf32, #tpu.memory_space<hbm>>
    %dma_wait3A_198 = tpu.memref_squeeze %dma_wait3A_197 : memref<1x16x1024xf32, #tpu.memory_space<hbm>> -> memref<16x1024xf32, #tpu.memory_space<hbm>>
    %dma_wait3A_199 = arith.constant 0 : i32
    %dma_wait3A_200 = tpu.memref_slice %arg4[%select_n3A, %add3A_195, %dma_wait3A_199] : memref<4x4096x1024xf32, #tpu.memory_space<hbm>> -> memref<1x16x1024xf32, #tpu.memory_space<hbm>>
    %dma_wait3A_201 = tpu.memref_squeeze %dma_wait3A_200 : memref<1x16x1024xf32, #tpu.memory_space<hbm>> -> memref<16x1024xf32, #tpu.memory_space<hbm>>
    tpu.wait_dma2 semaphore(%arg21 : memref<!tpu.dma_semaphore, #tpu.memory_space<semaphore_mem>>) src(%arg9 : memref<16x1024xf32, #tpu.memory_space<vmem>>) dst(%dma_wait3A_201 : memref<16x1024xf32, #tpu.memory_space<hbm>>)
    %dma_wait3A_202 = arith.constant 496 : i32
    %dma_wait3A_203 = tpu.memref_slice %arg5[%dma_wait3A_202] : memref<512xi32, #tpu.memory_space<vmem>> -> memref<16xi32, #tpu.memory_space<vmem>>
    %dma_wait3A_204 = arith.constant 0 : i32
    %dma_wait3A_205 = arith.constant 0 : i32
    %dma_wait3A_206 = tpu.memref_slice %arg2[%dma_wait3A_204, %dma_wait3A_205] : memref<100000x1024xf32, #tpu.memory_space<hbm>> -> memref<100000x1024xf32, #tpu.memory_space<hbm>>
    tpu.wait_indirect_dma semaphore(%arg13 : memref<!tpu.dma_semaphore, #tpu.memory_space<semaphore_mem>>) src(%dma_wait3A_206 : memref<100000x1024xf32, #tpu.memory_space<hbm>>) dst(%arg7 : memref<16x1024xf32, #tpu.memory_space<vmem>>)
    %add3A_207 = arith.constant 496 : i32
    %add3A_208 = arith.addi %mul3A_34, %add3A_207 : i32
    %dma_start3A_209 = arith.constant 0 : i32
    %dma_start3A_210 = tpu.memref_slice %arg4[%select_n3A, %add3A_208, %dma_start3A_209] : memref<4x4096x1024xf32, #tpu.memory_space<hbm>> -> memref<1x16x1024xf32, #tpu.memory_space<hbm>>
    %dma_start3A_211 = tpu.memref_squeeze %dma_start3A_210 : memref<1x16x1024xf32, #tpu.memory_space<hbm>> -> memref<16x1024xf32, #tpu.memory_space<hbm>>
    %dma_start3A_212 = arith.constant 0 : i32
    %dma_start3A_213 = tpu.memref_slice %arg4[%select_n3A, %add3A_208, %dma_start3A_212] : memref<4x4096x1024xf32, #tpu.memory_space<hbm>> -> memref<1x16x1024xf32, #tpu.memory_space<hbm>>
    %dma_start3A_214 = tpu.memref_squeeze %dma_start3A_213 : memref<1x16x1024xf32, #tpu.memory_space<hbm>> -> memref<16x1024xf32, #tpu.memory_space<hbm>>
    tpu.enqueue_dma source(%arg7 : memref<16x1024xf32, #tpu.memory_space<vmem>>) target(%dma_start3A_214 : memref<16x1024xf32, #tpu.memory_space<hbm>>) target_semaphore(%arg19 : memref<!tpu.dma_semaphore, #tpu.memory_space<semaphore_mem>>)
    %add3A_215 = arith.constant 448 : i32
    %add3A_216 = arith.addi %mul3A_34, %add3A_215 : i32
    %dma_wait3A_217 = arith.constant 0 : i32
    %dma_wait3A_218 = tpu.memref_slice %arg4[%select_n3A, %add3A_216, %dma_wait3A_217] : memref<4x4096x1024xf32, #tpu.memory_space<hbm>> -> memref<1x16x1024xf32, #tpu.memory_space<hbm>>
    %dma_wait3A_219 = tpu.memref_squeeze %dma_wait3A_218 : memref<1x16x1024xf32, #tpu.memory_space<hbm>> -> memref<16x1024xf32, #tpu.memory_space<hbm>>
    %dma_wait3A_220 = arith.constant 0 : i32
    %dma_wait3A_221 = tpu.memref_slice %arg4[%select_n3A, %add3A_216, %dma_wait3A_220] : memref<4x4096x1024xf32, #tpu.memory_space<hbm>> -> memref<1x16x1024xf32, #tpu.memory_space<hbm>>
    %dma_wait3A_222 = tpu.memref_squeeze %dma_wait3A_221 : memref<1x16x1024xf32, #tpu.memory_space<hbm>> -> memref<16x1024xf32, #tpu.memory_space<hbm>>
    tpu.wait_dma2 semaphore(%arg22 : memref<!tpu.dma_semaphore, #tpu.memory_space<semaphore_mem>>) src(%arg10 : memref<16x1024xf32, #tpu.memory_space<vmem>>) dst(%dma_wait3A_222 : memref<16x1024xf32, #tpu.memory_space<hbm>>)
    %add3A_223 = arith.constant 464 : i32
    %add3A_224 = arith.addi %mul3A_34, %add3A_223 : i32
    %dma_wait3A_225 = arith.constant 0 : i32
    %dma_wait3A_226 = tpu.memref_slice %arg4[%select_n3A, %add3A_224, %dma_wait3A_225] : memref<4x4096x1024xf32, #tpu.memory_space<hbm>> -> memref<1x16x1024xf32, #tpu.memory_space<hbm>>
    %dma_wait3A_227 = tpu.memref_squeeze %dma_wait3A_226 : memref<1x16x1024xf32, #tpu.memory_space<hbm>> -> memref<16x1024xf32, #tpu.memory_space<hbm>>
    %dma_wait3A_228 = arith.constant 0 : i32
    %dma_wait3A_229 = tpu.memref_slice %arg4[%select_n3A, %add3A_224, %dma_wait3A_228] : memref<4x4096x1024xf32, #tpu.memory_space<hbm>> -> memref<1x16x1024xf32, #tpu.memory_space<hbm>>
    %dma_wait3A_230 = tpu.memref_squeeze %dma_wait3A_229 : memref<1x16x1024xf32, #tpu.memory_space<hbm>> -> memref<16x1024xf32, #tpu.memory_space<hbm>>
    tpu.wait_dma2 semaphore(%arg23 : memref<!tpu.dma_semaphore, #tpu.memory_space<semaphore_mem>>) src(%arg11 : memref<16x1024xf32, #tpu.memory_space<vmem>>) dst(%dma_wait3A_230 : memref<16x1024xf32, #tpu.memory_space<hbm>>)
    %add3A_231 = arith.constant 480 : i32
    %add3A_232 = arith.addi %mul3A_34, %add3A_231 : i32
    %dma_wait3A_233 = arith.constant 0 : i32
    %dma_wait3A_234 = tpu.memref_slice %arg4[%select_n3A, %add3A_232, %dma_wait3A_233] : memref<4x4096x1024xf32, #tpu.memory_space<hbm>> -> memref<1x16x1024xf32, #tpu.memory_space<hbm>>
    %dma_wait3A_235 = tpu.memref_squeeze %dma_wait3A_234 : memref<1x16x1024xf32, #tpu.memory_space<hbm>> -> memref<16x1024xf32, #tpu.memory_space<hbm>>
    %dma_wait3A_236 = arith.constant 0 : i32
    %dma_wait3A_237 = tpu.memref_slice %arg4[%select_n3A, %add3A_232, %dma_wait3A_236] : memref<4x4096x1024xf32, #tpu.memory_space<hbm>> -> memref<1x16x1024xf32, #tpu.memory_space<hbm>>
    %dma_wait3A_238 = tpu.memref_squeeze %dma_wait3A_237 : memref<1x16x1024xf32, #tpu.memory_space<hbm>> -> memref<16x1024xf32, #tpu.memory_space<hbm>>
    tpu.wait_dma2 semaphore(%arg18 : memref<!tpu.dma_semaphore, #tpu.memory_space<semaphore_mem>>) src(%arg6 : memref<16x1024xf32, #tpu.memory_space<vmem>>) dst(%dma_wait3A_238 : memref<16x1024xf32, #tpu.memory_space<hbm>>)
    %add3A_239 = arith.constant 496 : i32
    %add3A_240 = arith.addi %mul3A_34, %add3A_239 : i32
    %dma_wait3A_241 = arith.constant 0 : i32
    %dma_wait3A_242 = tpu.memref_slice %arg4[%select_n3A, %add3A_240, %dma_wait3A_241] : memref<4x4096x1024xf32, #tpu.memory_space<hbm>> -> memref<1x16x1024xf32, #tpu.memory_space<hbm>>
    %dma_wait3A_243 = tpu.memref_squeeze %dma_wait3A_242 : memref<1x16x1024xf32, #tpu.memory_space<hbm>> -> memref<16x1024xf32, #tpu.memory_space<hbm>>
    %dma_wait3A_244 = arith.constant 0 : i32
    %dma_wait3A_245 = tpu.memref_slice %arg4[%select_n3A, %add3A_240, %dma_wait3A_244] : memref<4x4096x1024xf32, #tpu.memory_space<hbm>> -> memref<1x16x1024xf32, #tpu.memory_space<hbm>>
    %dma_wait3A_246 = tpu.memref_squeeze %dma_wait3A_245 : memref<1x16x1024xf32, #tpu.memory_space<hbm>> -> memref<16x1024xf32, #tpu.memory_space<hbm>>
    tpu.wait_dma2 semaphore(%arg19 : memref<!tpu.dma_semaphore, #tpu.memory_space<semaphore_mem>>) src(%arg7 : memref<16x1024xf32, #tpu.memory_space<vmem>>) dst(%dma_wait3A_246 : memref<16x1024xf32, #tpu.memory_space<hbm>>)
    return
  }
}

module attributes {stable_mosaic.version = 14 : i64} {
  func.func @_rope_body(%arg0: memref<4x4096xi32, #tpu.memory_space<vmem>>, %arg1: memref<1x64x1xf32, #tpu.memory_space<vmem>>, %arg2: memref<4x4096xi32, #tpu.memory_space<vmem>>, %arg3: memref<4x4096xi32, #tpu.memory_space<vmem>>, %arg4: memref<4x64x4096xf32, #tpu.memory_space<vmem>>, %arg5: memref<4x64x4096xf32, #tpu.memory_space<vmem>>) attributes {dimension_semantics = [], scalar_prefetch = 0 : i64, scratch_operands = 0 : i64, tpu.core_type = #tpu.core_type<tc>} {
    %get3A = arith.constant 0 : index
    %get3A_0 = arith.constant 0 : index
    %get3A_1 = vector.load %arg0[%get3A, %get3A_0] : memref<4x4096xi32, #tpu.memory_space<vmem>>, vector<4x4096xi32>
    %iota3A = tpu.iota {dimensions = array<i32: 1>} : vector<4x4096xi32>
    %swap3A = arith.constant 0 : index
    %swap3A_2 = arith.constant 0 : index
    %swap3A_3 = vector.load %arg2[%swap3A, %swap3A_2] : memref<4x4096xi32, #tpu.memory_space<vmem>>, vector<4x4096xi32>
    tpu.vector_store %arg2[%swap3A, %swap3A_2], %iota3A {strides = array<i32>} : memref<4x4096xi32, #tpu.memory_space<vmem>>, vector<4x4096xi32>,
    %ne3A = arith.constant 0 : i32
    %ne3A_4 = vector.broadcast %ne3A : i32 to vector<4x4096xi32>
    %ne3A_5 = arith.cmpi ne, %get3A_1, %ne3A_4 : vector<4x4096xi32>
    %convert_element_type3A = arith.extui %ne3A_5 : vector<4x4096xi1> to vector<4x4096xi32>
    %swap3A_6 = arith.constant 0 : index
    %swap3A_7 = arith.constant 0 : index
    %swap3A_8 = vector.load %arg3[%swap3A_6, %swap3A_7] : memref<4x4096xi32, #tpu.memory_space<vmem>>, vector<4x4096xi32>
    tpu.vector_store %arg3[%swap3A_6, %swap3A_7], %convert_element_type3A {strides = array<i32>} : memref<4x4096xi32, #tpu.memory_space<vmem>>, vector<4x4096xi32>,
    %iota3A_9 = tpu.iota {dimensions = array<i32: 2>} : vector<4x64x4096xi32>
    %convert_element_type3A_10 = arith.sitofp %iota3A_9 : vector<4x64x4096xi32> to vector<4x64x4096xf32>
    %get3A_11 = arith.constant 0 : index
    %get3A_12 = arith.constant 0 : index
    %get3A_13 = arith.constant 0 : index
    %get3A_14 = vector.load %arg1[%get3A_11, %get3A_12, %get3A_13] : memref<1x64x1xf32, #tpu.memory_space<vmem>>, vector<1x64x1xf32>
    %mul3A = vector.broadcast %get3A_14 : vector<1x64x1xf32> to vector<4x64x4096xf32>
    %mul3A_15 = arith.mulf %convert_element_type3A_10, %mul3A : vector<4x64x4096xf32>
    %cos3A = math.cos %mul3A_15 : vector<4x64x4096xf32>
    %swap3A_16 = arith.constant 0 : index
    %swap3A_17 = arith.constant 0 : index
    %swap3A_18 = arith.constant 0 : index
    %swap3A_19 = vector.load %arg4[%swap3A_16, %swap3A_17, %swap3A_18] : memref<4x64x4096xf32, #tpu.memory_space<vmem>>, vector<4x64x4096xf32>
    tpu.vector_store %arg4[%swap3A_16, %swap3A_17, %swap3A_18], %cos3A {strides = array<i32>} : memref<4x64x4096xf32, #tpu.memory_space<vmem>>, vector<4x64x4096xf32>,
    %sin3A = math.sin %mul3A_15 : vector<4x64x4096xf32>
    %swap3A_20 = arith.constant 0 : index
    %swap3A_21 = arith.constant 0 : index
    %swap3A_22 = arith.constant 0 : index
    %swap3A_23 = vector.load %arg5[%swap3A_20, %swap3A_21, %swap3A_22] : memref<4x64x4096xf32, #tpu.memory_space<vmem>>, vector<4x64x4096xf32>
    tpu.vector_store %arg5[%swap3A_20, %swap3A_21, %swap3A_22], %sin3A {strides = array<i32>} : memref<4x64x4096xf32, #tpu.memory_space<vmem>>, vector<4x64x4096xf32>,
    return
  }
}

</mosaic_0001>

<sc_bundles>
// kernel: kernel.4.cloned.1.call-start
scs
__scs_entry_jumppad:
0x0: {  	(pc) =	sbr.rel $0x88, $3  }
0x1: {  	(tag) =	ssettag $0x0;
	lr =	simm.s32 $0x1  }
0x2: {  	[smem:$0x3F9F] =	sst lr;
	_ =	strace $0xD0000000  }
0x3: {  	_ = 	snop  }
0x4: {  	_ = 	snop  }
0x5: {  	_ = 	snop  }
0x6: {  	_ = 	snop  }
0x7: {  	_ = 	snop  }
__scs_overlays_trampoline_lowered:
0x8: {  	[smem:$0x3FAE] =	sst s0  }
0x9: {  	[smem:$0x3FAF] =	sst s1  }
0xa: {  	[smem:$0x3FB0] =	sst s2  }
0xb: {  	[smem:$0x3FB1] =	sst s3  }
0xc: {  	[smem:$0x3FB2] =	sst s4  }
0xd: {  	[smem:$0x3FB3] =	sst s5  }
0xe: {  	[smem:$0x3FB4] =	sst s6  }
0xf: {  	[smem:$0x3FB5] =	sst s7  }
0x10: {  	[smem:$0x3FB6] =	sst s8  }
0x11: {  	[smem:$0x3FB7] =	sst s9;
	s0 =	simm.s32 @!p0 $0x0  }
0x12: {  	s1 =	sld [smem:$0x3F9D];
	s0 =	simm.s32 @p0 $0x1  }
0x13: {  	[smem:$0x3FB8] =	sst s0;
	s0 =	simm.s32 @!p1 $0x0  }
0x14: {  	s2 =	sld [smem:$0x3F9C];
	s0 =	simm.s32 @p1 $0x1  }
0x15: {  	[smem:$0x3FB9] =	sst s0;
	s0 =	simm.s32 @!p2 $0x0  }
0x16: {  	s3 =	sld [smem:$0x3FDB];
	s0 =	simm.s32 @p2 $0x1  }
0x17: {  	s4 =	simm.s32 $0x1BF5;
	[smem:$0x3FBB] =	sst s0  }
0x18: {  	s0 =	sld [smem:$0x3F9E];
	_ =	swait.ge [sflag:s4], $0x0  }
0x19: {  	s7 =	sld [smem:$0x3F9F]  }
0x1a: {  	s8 =	sadd.s32 $0xFFFFE003, lr  }
0x1b: {  	s9 =	sadd.s32 $0xFFFFFEF7, lr;
	s5 =	simm.s32 $0xFFFFFFFF;
	p2 =	slt.u32 s8, $0xFFFFF086  }
0x1c: {  	p1 =	slt.u32 s9, $0xF7A;
	s5 =	simm.s32 @!p2 $0x0  }
0x1d: {  	s5 =	simm.s32 @p1 $0x1;
	p0 =	seq.s32 s7, s2  }
0x1e: {  	s7 =	smul.u32 @!p0 $0xF7A, s2;
	p2 =	seq.s32 @!p0 s5, $0x0  }
0x1f: {  	s9 =	smul.u32 $0xF7A, s1;
	s8 =	simm.s32 @!p0 $0x1BF5;
	p2 =	por !p2, p0  }
0x20: {  	[sflag:s8] =	ssyncset.s32 @!p0 $0xFFFFF086;
	s6 =	sadd.s32 @!p0 s3, s7;
	s7 =	simm.s32 @!p0 $0x108  }
0x21: {  	s3 =	sadd.s32 s3, s9;
	s6 =	sadd.s32 @!p0 $0x88, s6;
	s7 =	simm.s32 @p2 $0x1082  }
0x22: {  	[simem:s7], [sflag:s8] =	dma.local @!p0 [hbm:s6], $0xF7A  }
0x23: {  	s9 =	sor.u32 $0xD0000000, s2;
	s6 =	simm.s32 $0x108;
	_ =	swait.ge @!p0 [sflag:s8], $0x0  }
0x24: {  	s3 =	sadd.s32 $0x88, s3;
	s6 =	simm.s32 @!p1 $0x1082;
	[sflag:s4] =	ssyncset.s32 $0xFFFFF086  }
0x25: {  	[simem:s6], [sflag:s4] =	dma.local [hbm:s3], $0xF7A  }
0x26: {  	[smem:$0x3F9F] =	sst s1;
	(tag) =	ssettag s2;
	_ =	strace s9  }
0x27: {  	s1 =	sld [smem:$0x3FAF]  }
0x28: {  	s2 =	sld [smem:$0x3FB0]  }
0x29: {  	s4 =	sld [smem:$0x3FB2]  }
0x2a: {  	p0 =	seq.s32 s5, $0x0;
	s5 =	sld [smem:$0x3FB3]  }
0x2b: {  	s6 =	sld [smem:$0x3FB4]  }
0x2c: {  	s7 =	sld [smem:$0x3FB5]  }
0x2d: {  	s3 =	simm.s32 $0x108;
	s8 =	sld [smem:$0x3FB6]  }
0x2e: {  	s3 =	simm.s32 @!p0 $0x1082;
	s9 =	sld [smem:$0x3FB7]  }
0x2f: {  	lr =	sadd.s32 s0, s3;
	s0 =	sld [smem:$0x3FAE]  }
0x30: {  	s3 =	sld [smem:$0x3FB1]  }
0x31: {  	[smem:$0x3FBA] =	sst s10  }
0x32: {  	s10 =	sld [smem:$0x3FB8];
	_ =	sdelay $0x3  }
0x33: {  	p0 =	seq.s32 s10, $0x1;
	s10 =	sld [smem:$0x3FBA];
	_ =	sdelay $0x3  }
0x34: {  	[smem:$0x3FBA] =	sst s10  }
0x35: {  	s10 =	sld [smem:$0x3FB9];
	_ =	sdelay $0x3  }
0x36: {  	p1 =	seq.s32 s10, $0x1;
	s10 =	sld [smem:$0x3FBA];
	_ =	sdelay $0x3  }
0x37: {  	[smem:$0x3FBA] =	sst s10  }
0x38: {  	s10 =	sld [smem:$0x3FBB]  }
0x39: {  	_ = 	snop;
	(pc) =	sbr.ind lr, $3  }
0x3a: {  	_ = 	snop  }
0x3b: {  	_ = 	snop  }
0x3c: {  	p2 =	seq.s32 s10, $0x1;
	s10 =	sld [smem:$0x3FBA]  }
0x3d: {  	_ =	shalt  }
0x3e: {  	_ =	shalt  }
0x3f: {  	_ =	shalt  }
0x40: {  	_ =	shalt  }
0x41: {  	_ =	shalt  }
0x42: {  	_ =	shalt  }
0x43: {  	_ =	shalt  }
0x44: {  	_ =	shalt  }
0x45: {  	_ =	shalt  }
0x46: {  	_ =	shalt  }
0x47: {  	_ =	shalt  }
0x48: {  	_ =	shalt  }
0x49: {  	_ =	shalt  }
0x4a: {  	_ =	shalt  }
0x4b: {  	_ =	shalt  }
0x4c: {  	_ =	shalt  }
0x4d: {  	_ =	shalt  }
0x4e: {  	_ =	shalt  }
0x4f: {  	_ =	shalt  }
0x50: {  	_ =	shalt  }
0x51: {  	_ =	shalt  }
0x52: {  	_ =	shalt  }
0x53: {  	_ =	shalt  }
0x54: {  	_ =	shalt  }
0x55: {  	_ =	shalt  }
0x56: {  	_ =	shalt  }
0x57: {  	_ =	shalt  }
0x58: {  	_ =	shalt  }
0x59: {  	_ =	shalt  }
0x5a: {  	_ =	shalt  }
0x5b: {  	_ =	shalt  }
0x5c: {  	_ =	shalt  }
0x5d: {  	_ =	shalt  }
0x5e: {  	_ =	shalt  }
0x5f: {  	_ =	shalt  }
0x60: {  	_ =	shalt  }
0x61: {  	_ =	shalt  }
0x62: {  	_ =	shalt  }
0x63: {  	_ =	shalt  }
0x64: {  	_ =	shalt  }
0x65: {  	_ =	shalt  }
0x66: {  	_ =	shalt  }
0x67: {  	_ =	shalt  }
0x68: {  	_ =	shalt  }
0x69: {  	_ =	shalt  }
0x6a: {  	_ =	shalt  }
0x6b: {  	_ =	shalt  }
0x6c: {  	_ =	shalt  }
0x6d: {  	_ =	shalt  }
0x6e: {  	_ =	shalt  }
0x6f: {  	_ =	shalt  }
0x70: {  	_ =	shalt  }
0x71: {  	_ =	shalt  }
0x72: {  	_ =	shalt  }
0x73: {  	_ =	shalt  }
0x74: {  	_ =	shalt  }
0x75: {  	_ =	shalt  }
0x76: {  	_ =	shalt  }
0x77: {  	_ =	shalt  }
0x78: {  	_ =	shalt  }
0x79: {  	_ =	shalt  }
0x7a: {  	_ =	shalt  }
0x7b: {  	_ =	shalt  }
0x7c: {  	_ =	shalt  }
0x7d: {  	_ =	shalt  }
0x7e: {  	_ =	shalt  }
0x7f: {  	_ =	shalt  }
0x80: {  	_ =	shalt  }
0x81: {  	_ =	shalt  }
0x82: {  	_ =	shalt  }
0x83: {  	_ =	shalt  }
0x84: {  	_ =	shalt  }
0x85: {  	_ =	shalt  }
0x86: {  	_ =	shalt  }
0x87: {  	_ =	shalt  }
.Lfunc_end0:
.L_simem_size_0:
called_computation_lowered:
.L_overlay_start_0:
0x88: {  	s2 =	sld [smem:$0x3FD9]  }
0x89: {  	s3 =	sld [smem:$0x3FFE];
	_ =	sdelay $0x1  }
0x8a: {  	s1 =	srdreg.scid  }
0x8b: {  	s0 =	sand.u32 $0x1, s1  }
0x8c: {  	s15 =	sshll.u32 s0, $0xA;
	s2 =	sadd.s32 s3, s2  }
0x8d: {  	s2 =	sadd.s32 s2, s15  }
0x8e: {  	[smem:$0x3FC6] =	sst s2  }
0x8f: {  	_ = 	snop  }
0x90: {  	s2 =	sld [smem:$0x3FD0];
	_ =	sdelay $0x2  }
0x91: {  	s4 =	simm.s32 $0xA;
	s5 =	simm.s32 $0x10;
	s16 =	sld [smem:$0x3FC8]  }
0x92: {  	[smem:s5], [sflag:s4] =	dma.local [hbm:s2], $0x1  }
0x93: {  	_ =	swait.eq [sflag:s4], $0x1  }
0x94: {  	[sflag:s4] =	ssyncset.done $0x0  }
0x95: {  	s17 =	sld [smem:$0x10];
	[sflag:s4] =	ssyncadd.s32 $0xFFFFFFFF  }
0x96: {  	s18 =	sld [smem:$0x15];
	(tm) =	ssettm $0x1  }
0x97: {  	s19 =	sld [smem:$0x3FFB];
	_ =	sdelay $0x3  }
0x98: {  	_ =	strace s19  }
0x99: {  	s5 =	sld [smem:$0x3FFC];
	_ =	sdelay $0x3  }
0x9a: {  	_ =	strace s5  }
0x9b: {  	s5 =	sld [smem:$0x3FFD];
	_ =	sdelay $0x3  }
0x9c: {  	_ =	strace s5  }
0x9d: {  	_ =	strace $0x8FFFFFFF  }
0x9e: {  	s20 =	sld [smem:$0x3FDB];
	_ =	sdelay $0x1  }
0x9f: {  	s6 =	simm.s32 $_scs_section_size  }
0xa0: {  	s7 =	simm.s32 $_size__tile_overlayer_lowered;
	s8 =	simm.s32 $_tile_overlayer_lowered  }
0xa1: {  	s23 =	simm.s32 $0x1BFF;
	s22 =	sshll.u32 s8, $0x1;
	s5 =	sadd.s32 s6, s20  }
0xa2: {  	s9 =	simm.s32 $0x0;
	s21 =	sshll.u32 s7, $0x1;
	s7 =	sadd.s32 s22, s5  }
0xa3: {  	[timem:s9], [sflag:s23] =	dma.local [hbm:s7], s21  }
0xa4: {  	_ =	swait.ge [sflag:s23], s21  }
0xa5: {  	s6 =	ssub.s32 $0x0, s21;
	[sflag:s23] =	ssyncset.done $0x0  }
0xa6: {  	[sflag:s23] =	ssyncadd.s32 s6;
	_ =	sdelay $0x1  }
0xa7: {  	s24 =	simm.s32 $0x1B8B  }
0xa8: {  	_ =	swait.ge [sflag:s24], $0x1  }
0xa9: {  	[sflag:s24] =	ssyncset.done $0x0  }
0xaa: {  	s25 =	simm.s32 $0x1B8E;
	[sflag:s24] =	ssyncadd.s32 $0xFFFFFFFF  }
0xab: {  	s26 =	simm.s32 $execute0_lowered;
	[smem:$0x3FD2] =	sst s25  }
0xac: {  	s6 =	sshll.u32 s26, $0x1;
	_ =	strace $0x80000046;
	[dreg:$0x1] =	wrdreg $0xFFFFFFFF  }
0xad: {  	s28 =	simm.s32 $_size_execute0_lowered;
	s5 =	sadd.s32 s5, s6;
	[dreg:$0x0] =	wrdreg $0x0  }
0xae: {  	s6 =	sshll.u32 s28, $0x1;
	[dreg:$0x2] =	wrdreg s5  }
0xaf: {  	[dreg:$0x3] =	wrdreg s6  }
0xb0: {  	[dreg:$0x4] =	wrdreg $0xC0  }
0xb1: {  	_ =	task [dreg:s9], $0x5FFFF  }
0xb2: {  	[dreg:$0x1] =	wrdreg $0xFFFFFFFF  }
0xb3: {  	[dreg:$0x0] =	wrdreg $0x60  }
0xb4: {  	[dreg:$0x2] =	wrdreg s16  }
0xb5: {  	[dreg:$0x3] =	wrdreg s18  }
0xb6: {  	[dreg:$0x4] =	wrdreg s17  }
0xb7: {  	[dreg:$0x5] =	wrdreg $0x9  }
0xb8: {  	_ =	task.clear_ibuf [dreg:s9], $0x6FFFF;
	_ =	strace $0x90000046  }
0xb9: {  	s29 =	simm.s32 $0x9;
	_ =	strace $0x80000048  }
0xba: {  	_ =	swait.ge [sflag:s29], $0x1  }
0xbb: {  	[sflag:s29] =	ssyncadd.s32 $0xFFFFFFFF  }
0xbc: {  	_ =	strace $0x90000048  }
0xbd: {  	_ =	sfence  }
0xbe: {  	s30 =	sld [smem:$0x0];
	_ =	sdelay $0x2  }
0xbf: {  	s31 =	sshll.u32 s1, $0xD;
	s1 =	sshrl.u32 s1, $0x2  }
0xc0: {  	s3 =	sand.u32 $0x4000, s31;
	s1 =	sadd.s32 s1, s30  }
0xc1: {  	s0 =	sor.u32 s3, s0;
	s1 =	sshll.u32 s1, $0x11  }
0xc2: {  	s0 =	sor.u32 s1, s0  }
0xc3: {  	s0 =	sadd.s32 $0x8F2B, s0  }
0xc4: {  	[sflag:s0] =	ssyncadd.remote.s32 $0x1  }
0xc5: {  	_ =	sfence.sel $0xFFFF  }
0xc6: {  	[dreg:$0x0] =	wrdreg $0xFFFFFFFF;
	(pc) =	sbr.abs _section_cstart, $3  }
0xc7: {  	[dreg:$0x1] =	wrdreg $0xFFFFFFFF  }
0xc8: {  	_ =	task.clear_ibuf [dreg:s9], $0x2FFFF;
	_ =	strace $0x9FFFFFFF  }
0xc9: {  	(tm) =	ssettm $0x7FFFFFFF  }
tec
execute0_lowered:
.L_overlay_start_1:
0x0: {  	(tag) =	ssettag $0x1  }
0x1: {  	s1 =	rddreg [dreg:$0x0]  }
0x2: {  	s0 =	rddreg [dreg:$0x1]  }
0x3: {  	s2 =	rddreg [dreg:$0x2]  }
0x4: {  	s3 =	simm.s32 $0x0;
	s4 =	srdreg.scid;
	s7 =	stileid.u32  }
0x5: {  	s31 =	simm.s32 $0x3;
	s29 =	simm.s32 $0xA;
	s30 =	simm.s32 $0xC  }
0x6: {  	[smem:$0x7FF] =	sst s3;
	s4 =	sand.u32 $0x1, s4;
	s5 =	sshll.u32 s7, $0x1  }
0x7: {  	s7 =	sshll.u32 s7, $0x14;
	_ =	strace $0x80000047;
	s5 =	sor.u32 s4, s5  }
0x8: {  	s4 =	ssub.s32 $0x2, s4;
	s7 =	sand.u32 $0xC00000, s7;
	s6 =	sand.u32 $0x7, s5  }
0x9: {  	s8 =	sshrl.u32 s4, $0x1;
	s5 =	sshll.u32 s5, $0x6;
	s6 =	sshll.u32 s6, $0x13  }
0xa: {  	s4 =	ssub.s32 s4, s8;
	s9 =	sadd.s32 s0, s5;
	s5 =	sadd.s32 $0x100, s1  }
0xb: {  	s25 =	sor.u32 s7, s6;
	s6 =	sadd.s32 $0x200, s1;
	s7 =	sadd.s32 $0x300, s1  }
0xc: {  	[dreg:$0xa] =	wrdreg s9;
	s28 =	sadd.s32 $0x4, s9;
	s26 =	sshrl.u32 s25, $0x3  }
0xd: {  	[dreg:$0xc] =	wrdreg s28;
	s14 =	sor.u32 $0x20000, s25;
	s16 =	sor.u32 $0x1C000, s25  }
0xe: {  	s20 =	sor.u32 $0x24000, s25;
	s22 =	sor.u32 $0x2C000, s25;
	s8 =	sor.u32 $0x28000, s25  }
0xf: {  	s28 =	smax.u32 s4, $0x1;
	s4 =	simm.s32 $0x6;
	s11 =	sadd.s32 s2, s26  }
0x10: {  	s0 =	sshrl.u32 s14, $0x3;
	s21 =	sshrl.u32 s20, $0x3;
	[dreg:$0x14] =	wrdreg s28  }
0x11: {  	s8 =	sshrl.u32 s8, $0x3;
	s9 =	sadd.s32 $0x800, s11;
	[dreg:$0xb] =	wrdreg s11  }
0x12: {  	s20 =	simm.s32 $0xA00;
	s10 =	sadd.s32 $0x1000, s11;
	[dreg:$0xd] =	wrdreg s9  }
0x13: {  	s14 =	simm.s32 $0x2A00;
	s12 =	sadd.s32 $0x1800, s11;
	[dreg:$0xe] =	wrdreg s10  }
0x14: {  	s13 =	sadd.s32 $0x2000, s11;
	s15 =	sadd.s32 $0x2800, s11;
	[dreg:$0xf] =	wrdreg s12  }
0x15: {  	s0 =	sadd.s32 s0, s2;
	s24 =	sadd.s32 $0xF000, s11;
	[dreg:$0x10] =	wrdreg s13  }
0x16: {  	s26 =	sadd.s32 $0xF800, s11;
	s11 =	simm.s32 $0x3A00;
	[dreg:$0x11] =	wrdreg s15  }
0x17: {  	s9 =	sshrl.u32 s16, $0x3;
	s10 =	sor.u32 $0x18000, s25;
	[dreg:$0x4] =	wrdreg s0  }
0x18: {  	s0 =	sadd.s32 s21, s2;
	[dreg:$0x12] =	wrdreg s24;
	s25 =	sadd.s32 s8, s2  }
0x19: {  	[dreg:$0x13] =	wrdreg s26;
	s21 =	simm.s32 $0x5A00;
	s8 =	simm.s32 $0x1  }
0x1a: {  	s12 =	simm.s32 $0x4;
	s24 =	simm.s32 $0x7;
	s13 =	simm.s32 $0x5  }
0x1b: {  	s26 =	simm.s32 $0x8;
	s15 =	simm.s32 $0x9;
	s16 =	simm.s32 $0xB  }
0x1c: {  	s17 =	sadd.s32 s9, s2;
	s18 =	sshrl.u32 s10, $0x3;
	[dreg:$0x7] =	wrdreg s0  }
0x1d: {  	s9 =	sshrl.u32 s22, $0x3;
	[dreg:$0x9] =	wrdreg s25;
	s22 =	simm.s32 $0x1200  }
0x1e: {  	s0 =	simm.s32 $0x2200;
	s10 =	simm.s32 $0x5200;
	s25 =	simm.s32 $0x2  }
0x1f: {  	v2 =	vlaneseq.u32;
	[dreg:$0x5] =	wrdreg s17;
	s19 =	sadd.s32 s18, s2;
	s23 =	sadd.s32 s9, s2  }
0x20: {  	vm0 =	vmmov $0xffff;
	v1 =	vshrl.u32 v2, $0x3;
	s18 =	simm.s32 $0x4A00;
	s9 =	simm.s32 $0x0;
	[dreg:$0x6] =	wrdreg s19  }
0x21: {  	v0 =	vand.u32 $0x7, v2;
	v2 =	vor.u32 $0x8, v2;
	v1 =	vmul.u32 $0x8, v1;
	[dreg:$0x8] =	wrdreg s23;
	s19 =	simm.s32 $0x1A00;
	s23 =	simm.s32 $0x3200  }
.LBB2_1:
0x22: {  	[dreg:$0x15] =	wrdreg s9  }
0x23: {  	s2 =	rddreg [dreg:$0xa];
	s17 =	simm.s32 $0xD  }
0x24: {  	[tilespmem:s3], [sflag:$0xD] =	stream.linear.gather [hbm4b:s2+s3], $0x20, $0x38;
	[tilespmem:$0x18200] =	vst v63  }
0x25: {  	_ =	swait.ge [sflag:s17], $0x20  }
0x26: {  	[sflag:s17] =	ssyncset.done $0x0  }
0x27: {  	[sflag:s17] =	ssyncadd.s32 $0xFFFFFFE0  }
0x28: {  	v3 =	vld [tilespmem:$0x0];
	_ =	sdelay $0x4  }
0x29: {  	v4 =	vshll.u32 v3, $0x3  }
0x2a: {  	v3 =	vand.u32 $0x7, v3;
	v4 =	vand.u32 $0xFFFFFFC0, v4  }
0x2b: {  	v3 =	vor.u32 v3, v4  }
0x2c: {  	v4 =	vperm.xlane v3, v0;
	_ =	sdelay $0x1  }
0x2d: {  	v4 =	vadd.s32 v1, v4;
	_ =	sdelay $0x3  }
0x2e: {  	s9 =	simm.s32 $0x200  }
0x2f: {  	[tilespmem:s9], [sflag:$0x1] =	stream.indirect_vreg.gather [hbm4b:s1+s3], $0x80, v4, vm0, $0xb8;
	[tilespmem:$0x18200] =	vst v63  }
0x30: {  	v3 =	vperm.xlane v3, v2  }
0x31: {  	[tilespmem:s20], [sflag:$0x1] =	stream.indirect_vreg.gather [hbm4b:s5+s3], $0x80, v4, vm0, $0xb8;
	[tilespmem:$0x18200] =	vst v63  }
0x32: {  	v3 =	vadd.s32 v1, v3  }
0x33: {  	[tilespmem:s22], [sflag:$0x1] =	stream.indirect_vreg.gather [hbm4b:s6+s3], $0x80, v4, vm0, $0xb8;
	[tilespmem:$0x18200] =	vst v63  }
0x34: {  	_ = 	snop  }
0x35: {  	[tilespmem:s19], [sflag:$0x1] =	stream.indirect_vreg.gather [hbm4b:s7+s3], $0x80, v4, vm0, $0xb8;
	[tilespmem:$0x18200] =	vst v63  }
0x36: {  	_ = 	snop  }
0x37: {  	[tilespmem:s0], [sflag:$0x1] =	stream.indirect_vreg.gather [hbm4b:s1+s3], $0x80, v3, vm0, $0xb8;
	[tilespmem:$0x18200] =	vst v63  }
0x38: {  	_ = 	snop  }
0x39: {  	[tilespmem:s14], [sflag:$0x1] =	stream.indirect_vreg.gather [hbm4b:s5+s3], $0x80, v3, vm0, $0xb8;
	[tilespmem:$0x18200] =	vst v63  }
0x3a: {  	_ = 	snop  }
0x3b: {  	[tilespmem:s23], [sflag:$0x1] =	stream.indirect_vreg.gather [hbm4b:s6+s3], $0x80, v3, vm0, $0xb8;
	[tilespmem:$0x18200] =	vst v63  }
0x3c: {  	_ = 	snop  }
0x3d: {  	[tilespmem:s11], [sflag:$0x1] =	stream.indirect_vreg.gather [hbm4b:s7+s3], $0x80, v3, vm0, $0xb8;
	[tilespmem:$0x18200] =	vst v63  }
0x3e: {  	v3 =	vld [tilespmem:$0x10];
	_ =	sdelay $0x4  }
0x3f: {  	v57 =	vshll.u32 v3, $0x3  }
0x40: {  	v3 =	vand.u32 $0x7, v3;
	v4 =	vand.u32 $0xFFFFFFC0, v57  }
0x41: {  	v3 =	vor.u32 v3, v4  }
0x42: {  	v4 =	vperm.xlane v3, v0;
	_ =	sdelay $0x1  }
0x43: {  	v4 =	vadd.s32 v1, v4;
	_ =	sdelay $0x3  }
0x44: {  	s28 =	simm.s32 $0x4200  }
0x45: {  	[tilespmem:s28], [sflag:$0x2] =	stream.indirect_vreg.gather [hbm4b:s1+s3], $0x80, v4, vm0, $0xb8;
	[tilespmem:$0x18200] =	vst v63  }
0x46: {  	v3 =	vperm.xlane v3, v2  }
0x47: {  	[tilespmem:s18], [sflag:$0x2] =	stream.indirect_vreg.gather [hbm4b:s5+s3], $0x80, v4, vm0, $0xb8;
	[tilespmem:$0x18200] =	vst v63  }
0x48: {  	v3 =	vadd.s32 v1, v3  }
0x49: {  	[tilespmem:s10], [sflag:$0x2] =	stream.indirect_vreg.gather [hbm4b:s6+s3], $0x80, v4, vm0, $0xb8;
	[tilespmem:$0x18200] =	vst v63  }
0x4a: {  	_ = 	snop  }
0x4b: {  	[tilespmem:s21], [sflag:$0x2] =	stream.indirect_vreg.gather [hbm4b:s7+s3], $0x80, v4, vm0, $0xb8;
	[tilespmem:$0x18200] =	vst v63  }
0x4c: {  	s10 =	simm.s32 $0x6200  }
0x4d: {  	[tilespmem:s10], [sflag:$0x2] =	stream.indirect_vreg.gather [hbm4b:s1+s3], $0x80, v3, vm0, $0xb8;
	[tilespmem:$0x18200] =	vst v63  }
0x4e: {  	s21 =	simm.s32 $0x6A00  }
0x4f: {  	[tilespmem:s21], [sflag:$0x2] =	stream.indirect_vreg.gather [hbm4b:s5+s3], $0x80, v3, vm0, $0xb8;
	[tilespmem:$0x18200] =	vst v63  }
0x50: {  	s22 =	simm.s32 $0x7200  }
0x51: {  	[tilespmem:s22], [sflag:$0x2] =	stream.indirect_vreg.gather [hbm4b:s6+s3], $0x80, v3, vm0, $0xb8;
	[tilespmem:$0x18200] =	vst v63  }
0x52: {  	s28 =	simm.s32 $0x7A00  }
0x53: {  	[tilespmem:s28], [sflag:$0x2] =	stream.indirect_vreg.gather [hbm4b:s7+s3], $0x80, v3, vm0, $0xb8;
	[tilespmem:$0x18200] =	vst v63  }
0x54: {  	s10 =	rddreg [dreg:$0xc];
	s28 =	simm.s32 $0x20  }
0x55: {  	[tilespmem:s28], [sflag:$0xD] =	stream.linear.gather [hbm4b:s10+s3], $0x1E0, $0x38;
	[tilespmem:$0x18200] =	vst v63  }
0x56: {  	_ =	swait.ge [sflag:s17], $0x1E0  }
0x57: {  	[sflag:s17] =	ssyncset.done $0x0  }
0x58: {  	[sflag:s17] =	ssyncadd.s32 $0xFFFFFE20  }
0x59: {  	v3 =	vld [tilespmem:$0x20];
	_ =	sdelay $0x4  }
0x5a: {  	v58 =	vshll.u32 v3, $0x3  }
0x5b: {  	v3 =	vand.u32 $0x7, v3;
	v4 =	vand.u32 $0xFFFFFFC0, v58  }
0x5c: {  	v3 =	vor.u32 v3, v4  }
0x5d: {  	v4 =	vperm.xlane v3, v0;
	_ =	sdelay $0x1  }
0x5e: {  	v4 =	vadd.s32 v1, v4;
	_ =	sdelay $0x3  }
0x5f: {  	s21 =	simm.s32 $0x8200  }
0x60: {  	[tilespmem:s21], [sflag:$0x3] =	stream.indirect_vreg.gather [hbm4b:s1+s3], $0x80, v4, vm0, $0xb8;
	[tilespmem:$0x18200] =	vst v63  }
0x61: {  	s17 =	simm.s32 $0x8A00;
	v3 =	vperm.xlane v3, v2  }
0x62: {  	[tilespmem:s17], [sflag:$0x3] =	stream.indirect_vreg.gather [hbm4b:s5+s3], $0x80, v4, vm0, $0xb8;
	[tilespmem:$0x18200] =	vst v63  }
0x63: {  	s22 =	simm.s32 $0x9200;
	v3 =	vadd.s32 v1, v3  }
0x64: {  	[tilespmem:s22], [sflag:$0x3] =	stream.indirect_vreg.gather [hbm4b:s6+s3], $0x80, v4, vm0, $0xb8;
	[tilespmem:$0x18200] =	vst v63  }
0x65: {  	s28 =	simm.s32 $0x9A00  }
0x66: {  	[tilespmem:s28], [sflag:$0x3] =	stream.indirect_vreg.gather [hbm4b:s7+s3], $0x80, v4, vm0, $0xb8;
	[tilespmem:$0x18200] =	vst v63  }
0x67: {  	s10 =	simm.s32 $0xA200  }
0x68: {  	[tilespmem:s10], [sflag:$0x3] =	stream.indirect_vreg.gather [hbm4b:s1+s3], $0x80, v3, vm0, $0xb8;
	[tilespmem:$0x18200] =	vst v63  }
0x69: {  	s17 =	simm.s32 $0xAA00  }
0x6a: {  	[tilespmem:s17], [sflag:$0x3] =	stream.indirect_vreg.gather [hbm4b:s5+s3], $0x80, v3, vm0, $0xb8;
	[tilespmem:$0x18200] =	vst v63  }
0x6b: {  	s22 =	simm.s32 $0xB200  }
0x6c: {  	[tilespmem:s22], [sflag:$0x3] =	stream.indirect_vreg.gather [hbm4b:s6+s3], $0x80, v3, vm0, $0xb8;
	[tilespmem:$0x18200] =	vst v63  }
0x6d: {  	s28 =	simm.s32 $0xBA00  }
0x6e: {  	[tilespmem:s28], [sflag:$0x3] =	stream.indirect_vreg.gather [hbm4b:s7+s3], $0x80, v3, vm0, $0xb8;
	[tilespmem:$0x18200] =	vst v63  }
0x6f: {  	_ =	swait.ge [sflag:s8], $0x4000  }
0x70: {  	[sflag:s8] =	ssyncset.done $0x0  }
0x71: {  	s9 =	simm.s32 $0x200;
	s10 =	rddreg [dreg:$0xb];
	[sflag:s8] =	ssyncadd.s32 $0xFFFFC000  }
0x72: {  	[hbm4b:s10+s3] =	stream.linear.scatter [tilespmem:s9], [sflag:$0x7], $0x4000, $0x38;
	[tilespmem:$0x18200] =	vst v63  }
0x73: {  	v3 =	vld [tilespmem:$0x30];
	_ =	sdelay $0x4  }
0x74: {  	v59 =	vshll.u32 v3, $0x3  }
0x75: {  	v3 =	vand.u32 $0x7, v3;
	v4 =	vand.u32 $0xFFFFFFC0, v59  }
0x76: {  	v3 =	vor.u32 v3, v4  }
0x77: {  	v4 =	vperm.xlane v3, v0;
	_ =	sdelay $0x1  }
0x78: {  	v4 =	vadd.s32 v1, v4;
	_ =	sdelay $0x3  }
0x79: {  	s22 =	simm.s32 $0xC200  }
0x7a: {  	[tilespmem:s22], [sflag:$0x4] =	stream.indirect_vreg.gather [hbm4b:s1+s3], $0x80, v4, vm0, $0xb8;
	[tilespmem:$0x18200] =	vst v63  }
0x7b: {  	s17 =	simm.s32 $0xCA00;
	v3 =	vperm.xlane v3, v2  }
0x7c: {  	[tilespmem:s17], [sflag:$0x4] =	stream.indirect_vreg.gather [hbm4b:s5+s3], $0x80, v4, vm0, $0xb8;
	[tilespmem:$0x18200] =	vst v63  }
0x7d: {  	s9 =	simm.s32 $0xD200;
	v3 =	vadd.s32 v1, v3  }
0x7e: {  	[tilespmem:s9], [sflag:$0x4] =	stream.indirect_vreg.gather [hbm4b:s6+s3], $0x80, v4, vm0, $0xb8;
	[tilespmem:$0x18200] =	vst v63  }
0x7f: {  	s10 =	simm.s32 $0xDA00  }
0x80: {  	[tilespmem:s10], [sflag:$0x4] =	stream.indirect_vreg.gather [hbm4b:s7+s3], $0x80, v4, vm0, $0xb8;
	[tilespmem:$0x18200] =	vst v63  }
0x81: {  	s17 =	simm.s32 $0xE200  }
0x82: {  	[tilespmem:s17], [sflag:$0x4] =	stream.indirect_vreg.gather [hbm4b:s1+s3], $0x80, v3, vm0, $0xb8;
	[tilespmem:$0x18200] =	vst v63  }
0x83: {  	s9 =	simm.s32 $0xEA00  }
0x84: {  	[tilespmem:s9], [sflag:$0x4] =	stream.indirect_vreg.gather [hbm4b:s5+s3], $0x80, v3, vm0, $0xb8;
	[tilespmem:$0x18200] =	vst v63  }
0x85: {  	s10 =	simm.s32 $0xF200  }
0x86: {  	[tilespmem:s10], [sflag:$0x4] =	stream.indirect_vreg.gather [hbm4b:s6+s3], $0x80, v3, vm0, $0xb8;
	[tilespmem:$0x18200] =	vst v63  }
0x87: {  	s17 =	simm.s32 $0xFA00  }
0x88: {  	[tilespmem:s17], [sflag:$0x4] =	stream.indirect_vreg.gather [hbm4b:s7+s3], $0x80, v3, vm0, $0xb8;
	[tilespmem:$0x18200] =	vst v63  }
0x89: {  	_ =	swait.ge [sflag:s25], $0x4000  }
0x8a: {  	[sflag:s25] =	ssyncset.done $0x0  }
0x8b: {  	s10 =	simm.s32 $0x4200;
	s9 =	rddreg [dreg:$0xd];
	[sflag:s25] =	ssyncadd.s32 $0xFFFFC000  }
0x8c: {  	[hbm4b:s9+s3] =	stream.linear.scatter [tilespmem:s10], [sflag:$0x8], $0x4000, $0x38;
	[tilespmem:$0x18200] =	vst v63  }
0x8d: {  	v3 =	vld [tilespmem:$0x40];
	_ =	sdelay $0x4  }
0x8e: {  	v60 =	vshll.u32 v3, $0x3  }
0x8f: {  	v3 =	vand.u32 $0x7, v3;
	v4 =	vand.u32 $0xFFFFFFC0, v60  }
0x90: {  	v3 =	vor.u32 v3, v4  }
0x91: {  	v4 =	vperm.xlane v3, v0;
	_ =	sdelay $0x1  }
0x92: {  	v4 =	vadd.s32 v1, v4;
	_ =	sdelay $0x3  }
0x93: {  	s9 =	simm.s32 $0x10200  }
0x94: {  	[tilespmem:s9], [sflag:$0x5] =	stream.indirect_vreg.gather [hbm4b:s1+s3], $0x80, v4, vm0, $0xb8;
	[tilespmem:$0x18200] =	vst v63  }
0x95: {  	s17 =	simm.s32 $0x10A00;
	v3 =	vperm.xlane v3, v2  }
0x96: {  	[tilespmem:s17], [sflag:$0x5] =	stream.indirect_vreg.gather [hbm4b:s5+s3], $0x80, v4, vm0, $0xb8;
	[tilespmem:$0x18200] =	vst v63  }
0x97: {  	s10 =	simm.s32 $0x11200;
	v3 =	vadd.s32 v1, v3  }
0x98: {  	[tilespmem:s10], [sflag:$0x5] =	stream.indirect_vreg.gather [hbm4b:s6+s3], $0x80, v4, vm0, $0xb8;
	[tilespmem:$0x18200] =	vst v63  }
0x99: {  	s17 =	simm.s32 $0x11A00  }
0x9a: {  	[tilespmem:s17], [sflag:$0x5] =	stream.indirect_vreg.gather [hbm4b:s7+s3], $0x80, v4, vm0, $0xb8;
	[tilespmem:$0x18200] =	vst v63  }
0x9b: {  	s10 =	simm.s32 $0x12200  }
0x9c: {  	[tilespmem:s10], [sflag:$0x5] =	stream.indirect_vreg.gather [hbm4b:s1+s3], $0x80, v3, vm0, $0xb8;
	[tilespmem:$0x18200] =	vst v63  }
0x9d: {  	s17 =	simm.s32 $0x12A00  }
0x9e: {  	[tilespmem:s17], [sflag:$0x5] =	stream.indirect_vreg.gather [hbm4b:s5+s3], $0x80, v3, vm0, $0xb8;
	[tilespmem:$0x18200] =	vst v63  }
0x9f: {  	s10 =	simm.s32 $0x13200  }
0xa0: {  	[tilespmem:s10], [sflag:$0x5] =	stream.indirect_vreg.gather [hbm4b:s6+s3], $0x80, v3, vm0, $0xb8;
	[tilespmem:$0x18200] =	vst v63  }
0xa1: {  	s17 =	simm.s32 $0x13A00  }
0xa2: {  	[tilespmem:s17], [sflag:$0x5] =	stream.indirect_vreg.gather [hbm4b:s7+s3], $0x80, v3, vm0, $0xb8;
	[tilespmem:$0x18200] =	vst v63  }
0xa3: {  	_ =	swait.ge [sflag:s31], $0x4000  }
0xa4: {  	[sflag:s31] =	ssyncset.done $0x0  }
0xa5: {  	s10 =	rddreg [dreg:$0xe];
	[sflag:s31] =	ssyncadd.s32 $0xFFFFC000  }
0xa6: {  	[hbm4b:s10+s3] =	stream.linear.scatter [tilespmem:s21], [sflag:$0x9], $0x4000, $0x38;
	[tilespmem:$0x18200] =	vst v63  }
0xa7: {  	v3 =	vld [tilespmem:$0x50];
	_ =	sdelay $0x4  }
0xa8: {  	v61 =	vshll.u32 v3, $0x3  }
0xa9: {  	v3 =	vand.u32 $0x7, v3;
	v4 =	vand.u32 $0xFFFFFFC0, v61  }
0xaa: {  	v3 =	vor.u32 v3, v4  }
0xab: {  	v4 =	vperm.xlane v3, v0;
	_ =	sdelay $0x1  }
0xac: {  	v4 =	vadd.s32 v1, v4;
	_ =	sdelay $0x3  }
0xad: {  	s10 =	simm.s32 $0x14200  }
0xae: {  	[tilespmem:s10], [sflag:$0x6] =	stream.indirect_vreg.gather [hbm4b:s1+s3], $0x80, v4, vm0, $0xb8;
	[tilespmem:$0x18200] =	vst v63  }
0xaf: {  	s2 =	simm.s32 $0x14A00;
	v3 =	vperm.xlane v3, v2  }
0xb0: {  	[tilespmem:s2], [sflag:$0x6] =	stream.indirect_vreg.gather [hbm4b:s5+s3], $0x80, v4, vm0, $0xb8;
	[tilespmem:$0x18200] =	vst v63  }
0xb1: {  	v3 =	vadd.s32 v1, v3;
	s2 =	simm.s32 $0x15200  }
0xb2: {  	[tilespmem:s2], [sflag:$0x6] =	stream.indirect_vreg.gather [hbm4b:s6+s3], $0x80, v4, vm0, $0xb8;
	[tilespmem:$0x18200] =	vst v63  }
0xb3: {  	s2 =	simm.s32 $0x15A00  }
0xb4: {  	[tilespmem:s2], [sflag:$0x6] =	stream.indirect_vreg.gather [hbm4b:s7+s3], $0x80, v4, vm0, $0xb8;
	[tilespmem:$0x18200] =	vst v63  }
0xb5: {  	s2 =	simm.s32 $0x16200  }
0xb6: {  	[tilespmem:s2], [sflag:$0x6] =	stream.indirect_vreg.gather [hbm4b:s1+s3], $0x80, v3, vm0, $0xb8;
	[tilespmem:$0x18200] =	vst v63  }
0xb7: {  	s2 =	simm.s32 $0x16A00  }
0xb8: {  	[tilespmem:s2], [sflag:$0x6] =	stream.indirect_vreg.gather [hbm4b:s5+s3], $0x80, v3, vm0, $0xb8;
	[tilespmem:$0x18200] =	vst v63  }
0xb9: {  	s2 =	simm.s32 $0x17200  }
0xba: {  	[tilespmem:s2], [sflag:$0x6] =	stream.indirect_vreg.gather [hbm4b:s6+s3], $0x80, v3, vm0, $0xb8;
	[tilespmem:$0x18200] =	vst v63  }
0xbb: {  	s2 =	simm.s32 $0x17A00  }
0xbc: {  	[tilespmem:s2], [sflag:$0x6] =	stream.indirect_vreg.gather [hbm4b:s7+s3], $0x80, v3, vm0, $0xb8;
	[tilespmem:$0x18200] =	vst v63  }
0xbd: {  	_ =	swait.ge [sflag:s12], $0x4000  }
0xbe: {  	[sflag:s12] =	ssyncset.done $0x0  }
0xbf: {  	s2 =	rddreg [dreg:$0xf];
	[sflag:s12] =	ssyncadd.s32 $0xFFFFC000  }
0xc0: {  	[hbm4b:s2+s3] =	stream.linear.scatter [tilespmem:s22], [sflag:$0xA], $0x4000, $0x38;
	[tilespmem:$0x18200] =	vst v63  }
0xc1: {  	_ =	swait.ge [sflag:s24], $0x4000  }
0xc2: {  	[sflag:s24] =	ssyncset.done $0x0  }
0xc3: {  	[sflag:s24] =	ssyncadd.s32 $0xFFFFC000  }
0xc4: {  	v3 =	vld [tilespmem:$0x60];
	_ =	sdelay $0x4  }
0xc5: {  	v62 =	vshll.u32 v3, $0x3  }
0xc6: {  	v3 =	vand.u32 $0x7, v3;
	v4 =	vand.u32 $0xFFFFFFC0, v62  }
0xc7: {  	v3 =	vor.u32 v3, v4  }
0xc8: {  	v4 =	vperm.xlane v3, v0;
	_ =	sdelay $0x1  }
0xc9: {  	v4 =	vadd.s32 v1, v4;
	_ =	sdelay $0x3  }
0xca: {  	s2 =	simm.s32 $0x200  }
0xcb: {  	[tilespmem:s2], [sflag:$0x1] =	stream.indirect_vreg.gather [hbm4b:s1+s3], $0x80, v4, vm0, $0xb8;
	[tilespmem:$0x18200] =	vst v63  }
0xcc: {  	v3 =	vperm.xlane v3, v2  }
0xcd: {  	[tilespmem:s20], [sflag:$0x1] =	stream.indirect_vreg.gather [hbm4b:s5+s3], $0x80, v4, vm0, $0xb8;
	[tilespmem:$0x18200] =	vst v63  }
0xce: {  	s28 =	simm.s32 $0x1200;
	v3 =	vadd.s32 v1, v3  }
0xcf: {  	[tilespmem:s28], [sflag:$0x1] =	stream.indirect_vreg.gather [hbm4b:s6+s3], $0x80, v4, vm0, $0xb8;
	[tilespmem:$0x18200] =	vst v63  }
0xd0: {  	_ = 	snop  }
0xd1: {  	[tilespmem:s19], [sflag:$0x1] =	stream.indirect_vreg.gather [hbm4b:s7+s3], $0x80, v4, vm0, $0xb8;
	[tilespmem:$0x18200] =	vst v63  }
0xd2: {  	_ = 	snop  }
0xd3: {  	[tilespmem:s0], [sflag:$0x1] =	stream.indirect_vreg.gather [hbm4b:s1+s3], $0x80, v3, vm0, $0xb8;
	[tilespmem:$0x18200] =	vst v63  }
0xd4: {  	_ = 	snop  }
0xd5: {  	[tilespmem:s14], [sflag:$0x1] =	stream.indirect_vreg.gather [hbm4b:s5+s3], $0x80, v3, vm0, $0xb8;
	[tilespmem:$0x18200] =	vst v63  }
0xd6: {  	_ = 	snop  }
0xd7: {  	[tilespmem:s23], [sflag:$0x1] =	stream.indirect_vreg.gather [hbm4b:s6+s3], $0x80, v3, vm0, $0xb8;
	[tilespmem:$0x18200] =	vst v63  }
0xd8: {  	_ = 	snop  }
0xd9: {  	[tilespmem:s11], [sflag:$0x1] =	stream.indirect_vreg.gather [hbm4b:s7+s3], $0x80, v3, vm0, $0xb8;
	[tilespmem:$0x18200] =	vst v63  }
0xda: {  	_ =	swait.ge [sflag:s13], $0x4000  }
0xdb: {  	[sflag:s13] =	ssyncset.done $0x0  }
0xdc: {  	s11 =	rddreg [dreg:$0x10];
	[sflag:s13] =	ssyncadd.s32 $0xFFFFC000  }
0xdd: {  	[hbm4b:s11+s3] =	stream.linear.scatter [tilespmem:s9], [sflag:$0xB], $0x4000, $0x38;
	[tilespmem:$0x18200] =	vst v63  }
0xde: {  	_ =	swait.ge [sflag:s26], $0x4000  }
0xdf: {  	[sflag:s26] =	ssyncset.done $0x0  }
0xe0: {  	[sflag:s26] =	ssyncadd.s32 $0xFFFFC000  }
0xe1: {  	v3 =	vld [tilespmem:$0x70];
	_ =	sdelay $0x4  }
0xe2: {  	v63 =	vshll.u32 v3, $0x3  }
0xe3: {  	v3 =	vand.u32 $0x7, v3;
	v4 =	vand.u32 $0xFFFFFFC0, v63  }
0xe4: {  	v3 =	vor.u32 v3, v4  }
0xe5: {  	v4 =	vperm.xlane v3, v0;
	_ =	sdelay $0x1  }
0xe6: {  	v4 =	vadd.s32 v1, v4;
	_ =	sdelay $0x3  }
0xe7: {  	s14 =	simm.s32 $0x4200  }
0xe8: {  	[tilespmem:s14], [sflag:$0x2] =	stream.indirect_vreg.gather [hbm4b:s1+s3], $0x80, v4, vm0, $0xb8;
	[tilespmem:$0x18200] =	vst v63  }
0xe9: {  	v3 =	vperm.xlane v3, v2  }
0xea: {  	[tilespmem:s18], [sflag:$0x2] =	stream.indirect_vreg.gather [hbm4b:s5+s3], $0x80, v4, vm0, $0xb8;
	[tilespmem:$0x18200] =	vst v63  }
0xeb: {  	s17 =	simm.s32 $0x5200;
	v3 =	vadd.s32 v1, v3  }
0xec: {  	[tilespmem:s17], [sflag:$0x2] =	stream.indirect_vreg.gather [hbm4b:s6+s3], $0x80, v4, vm0, $0xb8;
	[tilespmem:$0x18200] =	vst v63  }
0xed: {  	s17 =	simm.s32 $0x5A00  }
0xee: {  	[tilespmem:s17], [sflag:$0x2] =	stream.indirect_vreg.gather [hbm4b:s7+s3], $0x80, v4, vm0, $0xb8;
	[tilespmem:$0x18200] =	vst v63  }
0xef: {  	s18 =	simm.s32 $0x6200  }
0xf0: {  	[tilespmem:s18], [sflag:$0x2] =	stream.indirect_vreg.gather [hbm4b:s1+s3], $0x80, v3, vm0, $0xb8;
	[tilespmem:$0x18200] =	vst v63  }
0xf1: {  	s19 =	simm.s32 $0x6A00  }
0xf2: {  	[tilespmem:s19], [sflag:$0x2] =	stream.indirect_vreg.gather [hbm4b:s5+s3], $0x80, v3, vm0, $0xb8;
	[tilespmem:$0x18200] =	vst v63  }
0xf3: {  	s20 =	simm.s32 $0x7200  }
0xf4: {  	[tilespmem:s20], [sflag:$0x2] =	stream.indirect_vreg.gather [hbm4b:s6+s3], $0x80, v3, vm0, $0xb8;
	[tilespmem:$0x18200] =	vst v63  }
0xf5: {  	s23 =	simm.s32 $0x7A00  }
0xf6: {  	[tilespmem:s23], [sflag:$0x2] =	stream.indirect_vreg.gather [hbm4b:s7+s3], $0x80, v3, vm0, $0xb8;
	[tilespmem:$0x18200] =	vst v63  }
0xf7: {  	s2 =	simm.s32 $0x0;
	s0 =	simm.s32 $0x5200;
	_ =	swait.ge [sflag:s4], $0x4000  }
0xf8: {  	s17 =	simm.s32 $0xD0;
	s19 =	simm.s32 $0x5A00;
	[sflag:s4] =	ssyncset.done $0x0  }
0xf9: {  	s23 =	simm.s32 $0x2A00;
	s28 =	rddreg [dreg:$0x11];
	[sflag:s4] =	ssyncadd.s32 $0xFFFFC000  }
0xfa: {  	[hbm4b:s28+s3] =	stream.linear.scatter [tilespmem:s10], [sflag:$0xC], $0x4000, $0x38;
	[tilespmem:$0x18200] =	vst v63  }
.LBB2_2:
0xfb: {  	_ =	swait.ge [sflag:s15], $0x4000  }
0xfc: {  	[sflag:s15] =	ssyncset.done $0x0  }
0xfd: {  	[sflag:s15] =	ssyncadd.s32 $0xFFFFC000  }
0xfe: {  	v3 =	vld [tilespmem:s17+$0xFFFFFFB0];
	_ =	sdelay $0x4  }
0xff: {  	v4 =	vshll.u32 v3, $0x3  }
0x100: {  	v3 =	vand.u32 $0x7, v3;
	v4 =	vand.u32 $0xFFFFFFC0, v4  }
0x101: {  	v3 =	vor.u32 v3, v4  }
0x102: {  	v4 =	vperm.xlane v3, v0;
	_ =	sdelay $0x1  }
0x103: {  	v4 =	vadd.s32 v1, v4;
	_ =	sdelay $0x4  }
0x104: {  	[tilespmem:s21], [sflag:$0x3] =	stream.indirect_vreg.gather [hbm4b:s1+s3], $0x80, v4, vm0, $0xb8;
	[tilespmem:$0x18200] =	vst v63  }
0x105: {  	s11 =	simm.s32 $0x8A00;
	v3 =	vperm.xlane v3, v2  }
0x106: {  	[tilespmem:s11], [sflag:$0x3] =	stream.indirect_vreg.gather [hbm4b:s5+s3], $0x80, v4, vm0, $0xb8;
	[tilespmem:$0x18200] =	vst v63  }
0x107: {  	s18 =	simm.s32 $0x9200;
	v3 =	vadd.s32 v1, v3  }
0x108: {  	[tilespmem:s18], [sflag:$0x3] =	stream.indirect_vreg.gather [hbm4b:s6+s3], $0x80, v4, vm0, $0xb8;
	[tilespmem:$0x18200] =	vst v63  }
0x109: {  	s20 =	simm.s32 $0x9A00  }
0x10a: {  	[tilespmem:s20], [sflag:$0x3] =	stream.indirect_vreg.gather [hbm4b:s7+s3], $0x80, v4, vm0, $0xb8;
	[tilespmem:$0x18200] =	vst v63  }
0x10b: {  	s14 =	simm.s32 $0xA200  }
0x10c: {  	[tilespmem:s14], [sflag:$0x3] =	stream.indirect_vreg.gather [hbm4b:s1+s3], $0x80, v3, vm0, $0xb8;
	[tilespmem:$0x18200] =	vst v63  }
0x10d: {  	s18 =	simm.s32 $0xAA00  }
0x10e: {  	[tilespmem:s18], [sflag:$0x3] =	stream.indirect_vreg.gather [hbm4b:s5+s3], $0x80, v3, vm0, $0xb8;
	[tilespmem:$0x18200] =	vst v63  }
0x10f: {  	s20 =	simm.s32 $0xB200  }
0x110: {  	[tilespmem:s20], [sflag:$0x3] =	stream.indirect_vreg.gather [hbm4b:s6+s3], $0x80, v3, vm0, $0xb8;
	[tilespmem:$0x18200] =	vst v63  }
0x111: {  	s14 =	simm.s32 $0xBA00  }
0x112: {  	[tilespmem:s14], [sflag:$0x3] =	stream.indirect_vreg.gather [hbm4b:s7+s3], $0x80, v3, vm0, $0xb8;
	[tilespmem:$0x18200] =	vst v63  }
0x113: {  	_ =	swait.ge [sflag:s8], $0x4000  }
0x114: {  	s20 =	rddreg [dreg:$0x6];
	[sflag:s8] =	ssyncset.done $0x0  }
0x115: {  	s11 =	simm.s32 $0x200;
	[sflag:s8] =	ssyncadd.s32 $0xFFFFC000;
	s20 =	sadd.s32 s2, s20  }
0x116: {  	[hbm4b:s20+s3] =	stream.linear.scatter [tilespmem:s11], [sflag:$0x7], $0x4000, $0x38;
	[tilespmem:$0x18200] =	vst v63  }
0x117: {  	_ =	swait.ge [sflag:s29], $0x4000  }
0x118: {  	[sflag:s29] =	ssyncset.done $0x0  }
0x119: {  	[sflag:s29] =	ssyncadd.s32 $0xFFFFC000  }
0x11a: {  	v3 =	vld [tilespmem:s17+$0xFFFFFFC0];
	_ =	sdelay $0x4  }
0x11b: {  	v59 =	vshll.u32 v3, $0x3  }
0x11c: {  	v3 =	vand.u32 $0x7, v3;
	v4 =	vand.u32 $0xFFFFFFC0, v59  }
0x11d: {  	v3 =	vor.u32 v3, v4  }
0x11e: {  	v4 =	vperm.xlane v3, v0;
	_ =	sdelay $0x1  }
0x11f: {  	v4 =	vadd.s32 v1, v4;
	_ =	sdelay $0x4  }
0x120: {  	[tilespmem:s22], [sflag:$0x4] =	stream.indirect_vreg.gather [hbm4b:s1+s3], $0x80, v4, vm0, $0xb8;
	[tilespmem:$0x18200] =	vst v63  }
0x121: {  	s14 =	simm.s32 $0xCA00;
	v3 =	vperm.xlane v3, v2  }
0x122: {  	[tilespmem:s14], [sflag:$0x4] =	stream.indirect_vreg.gather [hbm4b:s5+s3], $0x80, v4, vm0, $0xb8;
	[tilespmem:$0x18200] =	vst v63  }
0x123: {  	s18 =	simm.s32 $0xD200;
	v3 =	vadd.s32 v1, v3  }
0x124: {  	[tilespmem:s18], [sflag:$0x4] =	stream.indirect_vreg.gather [hbm4b:s6+s3], $0x80, v4, vm0, $0xb8;
	[tilespmem:$0x18200] =	vst v63  }
0x125: {  	s20 =	simm.s32 $0xDA00  }
0x126: {  	[tilespmem:s20], [sflag:$0x4] =	stream.indirect_vreg.gather [hbm4b:s7+s3], $0x80, v4, vm0, $0xb8;
	[tilespmem:$0x18200] =	vst v63  }
0x127: {  	s18 =	simm.s32 $0xE200  }
0x128: {  	[tilespmem:s18], [sflag:$0x4] =	stream.indirect_vreg.gather [hbm4b:s1+s3], $0x80, v3, vm0, $0xb8;
	[tilespmem:$0x18200] =	vst v63  }
0x129: {  	s20 =	simm.s32 $0xEA00  }
0x12a: {  	[tilespmem:s20], [sflag:$0x4] =	stream.indirect_vreg.gather [hbm4b:s5+s3], $0x80, v3, vm0, $0xb8;
	[tilespmem:$0x18200] =	vst v63  }
0x12b: {  	s18 =	simm.s32 $0xF200  }
0x12c: {  	[tilespmem:s18], [sflag:$0x4] =	stream.indirect_vreg.gather [hbm4b:s6+s3], $0x80, v3, vm0, $0xb8;
	[tilespmem:$0x18200] =	vst v63  }
0x12d: {  	s20 =	simm.s32 $0xFA00  }
0x12e: {  	[tilespmem:s20], [sflag:$0x4] =	stream.indirect_vreg.gather [hbm4b:s7+s3], $0x80, v3, vm0, $0xb8;
	[tilespmem:$0x18200] =	vst v63  }
0x12f: {  	_ =	swait.ge [sflag:s25], $0x4000  }
0x130: {  	s18 =	rddreg [dreg:$0x5];
	[sflag:s25] =	ssyncset.done $0x0  }
0x131: {  	[sflag:s25] =	ssyncadd.s32 $0xFFFFC000;
	s20 =	sadd.s32 s2, s18;
	s18 =	simm.s32 $0x4200  }
0x132: {  	[hbm4b:s20+s3] =	stream.linear.scatter [tilespmem:s18], [sflag:$0x8], $0x4000, $0x38;
	[tilespmem:$0x18200] =	vst v63  }
0x133: {  	_ =	swait.ge [sflag:s16], $0x4000  }
0x134: {  	[sflag:s16] =	ssyncset.done $0x0  }
0x135: {  	[sflag:s16] =	ssyncadd.s32 $0xFFFFC000  }
0x136: {  	v3 =	vld [tilespmem:s17+$0xFFFFFFD0];
	_ =	sdelay $0x4  }
0x137: {  	v60 =	vshll.u32 v3, $0x3  }
0x138: {  	v3 =	vand.u32 $0x7, v3;
	v4 =	vand.u32 $0xFFFFFFC0, v60  }
0x139: {  	v3 =	vor.u32 v3, v4  }
0x13a: {  	v4 =	vperm.xlane v3, v0;
	_ =	sdelay $0x1  }
0x13b: {  	v4 =	vadd.s32 v1, v4;
	_ =	sdelay $0x4  }
0x13c: {  	[tilespmem:s9], [sflag:$0x5] =	stream.indirect_vreg.gather [hbm4b:s1+s3], $0x80, v4, vm0, $0xb8;
	[tilespmem:$0x18200] =	vst v63  }
0x13d: {  	s20 =	simm.s32 $0x10A00;
	v3 =	vperm.xlane v3, v2  }
0x13e: {  	[tilespmem:s20], [sflag:$0x5] =	stream.indirect_vreg.gather [hbm4b:s5+s3], $0x80, v4, vm0, $0xb8;
	[tilespmem:$0x18200] =	vst v63  }
0x13f: {  	v3 =	vadd.s32 v1, v3;
	s20 =	simm.s32 $0x11200  }
0x140: {  	[tilespmem:s20], [sflag:$0x5] =	stream.indirect_vreg.gather [hbm4b:s6+s3], $0x80, v4, vm0, $0xb8;
	[tilespmem:$0x18200] =	vst v63  }
0x141: {  	s20 =	simm.s32 $0x11A00  }
0x142: {  	[tilespmem:s20], [sflag:$0x5] =	stream.indirect_vreg.gather [hbm4b:s7+s3], $0x80, v4, vm0, $0xb8;
	[tilespmem:$0x18200] =	vst v63  }
0x143: {  	s20 =	simm.s32 $0x12200  }
0x144: {  	[tilespmem:s20], [sflag:$0x5] =	stream.indirect_vreg.gather [hbm4b:s1+s3], $0x80, v3, vm0, $0xb8;
	[tilespmem:$0x18200] =	vst v63  }
0x145: {  	s20 =	simm.s32 $0x12A00  }
0x146: {  	[tilespmem:s20], [sflag:$0x5] =	stream.indirect_vreg.gather [hbm4b:s5+s3], $0x80, v3, vm0, $0xb8;
	[tilespmem:$0x18200] =	vst v63  }
0x147: {  	s20 =	simm.s32 $0x13200  }
0x148: {  	[tilespmem:s20], [sflag:$0x5] =	stream.indirect_vreg.gather [hbm4b:s6+s3], $0x80, v3, vm0, $0xb8;
	[tilespmem:$0x18200] =	vst v63  }
0x149: {  	s20 =	simm.s32 $0x13A00  }
0x14a: {  	[tilespmem:s20], [sflag:$0x5] =	stream.indirect_vreg.gather [hbm4b:s7+s3], $0x80, v3, vm0, $0xb8;
	[tilespmem:$0x18200] =	vst v63  }
0x14b: {  	_ =	swait.ge [sflag:s31], $0x4000  }
0x14c: {  	s14 =	rddreg [dreg:$0x4];
	[sflag:s31] =	ssyncset.done $0x0  }
0x14d: {  	[sflag:s31] =	ssyncadd.s32 $0xFFFFC000;
	s20 =	sadd.s32 s2, s14  }
0x14e: {  	[hbm4b:s20+s3] =	stream.linear.scatter [tilespmem:s21], [sflag:$0x9], $0x4000, $0x38;
	[tilespmem:$0x18200] =	vst v63  }
0x14f: {  	_ =	swait.ge [sflag:s30], $0x4000  }
0x150: {  	[sflag:s30] =	ssyncset.done $0x0  }
0x151: {  	[sflag:s30] =	ssyncadd.s32 $0xFFFFC000  }
0x152: {  	v3 =	vld [tilespmem:s17+$0xFFFFFFE0];
	_ =	sdelay $0x4  }
0x153: {  	v61 =	vshll.u32 v3, $0x3  }
0x154: {  	v3 =	vand.u32 $0x7, v3;
	v4 =	vand.u32 $0xFFFFFFC0, v61  }
0x155: {  	v3 =	vor.u32 v3, v4  }
0x156: {  	v4 =	vperm.xlane v3, v0;
	_ =	sdelay $0x1  }
0x157: {  	v4 =	vadd.s32 v1, v4;
	_ =	sdelay $0x4  }
0x158: {  	[tilespmem:s10], [sflag:$0x6] =	stream.indirect_vreg.gather [hbm4b:s1+s3], $0x80, v4, vm0, $0xb8;
	[tilespmem:$0x18200] =	vst v63  }
0x159: {  	s20 =	simm.s32 $0x14A00;
	v3 =	vperm.xlane v3, v2  }
0x15a: {  	[tilespmem:s20], [sflag:$0x6] =	stream.indirect_vreg.gather [hbm4b:s5+s3], $0x80, v4, vm0, $0xb8;
	[tilespmem:$0x18200] =	vst v63  }
0x15b: {  	v3 =	vadd.s32 v1, v3;
	s20 =	simm.s32 $0x15200  }
0x15c: {  	[tilespmem:s20], [sflag:$0x6] =	stream.indirect_vreg.gather [hbm4b:s6+s3], $0x80, v4, vm0, $0xb8;
	[tilespmem:$0x18200] =	vst v63  }
0x15d: {  	s20 =	simm.s32 $0x15A00  }
0x15e: {  	[tilespmem:s20], [sflag:$0x6] =	stream.indirect_vreg.gather [hbm4b:s7+s3], $0x80, v4, vm0, $0xb8;
	[tilespmem:$0x18200] =	vst v63  }
0x15f: {  	s20 =	simm.s32 $0x16200  }
0x160: {  	[tilespmem:s20], [sflag:$0x6] =	stream.indirect_vreg.gather [hbm4b:s1+s3], $0x80, v3, vm0, $0xb8;
	[tilespmem:$0x18200] =	vst v63  }
0x161: {  	s20 =	simm.s32 $0x16A00  }
0x162: {  	[tilespmem:s20], [sflag:$0x6] =	stream.indirect_vreg.gather [hbm4b:s5+s3], $0x80, v3, vm0, $0xb8;
	[tilespmem:$0x18200] =	vst v63  }
0x163: {  	s20 =	simm.s32 $0x17200  }
0x164: {  	[tilespmem:s20], [sflag:$0x6] =	stream.indirect_vreg.gather [hbm4b:s6+s3], $0x80, v3, vm0, $0xb8;
	[tilespmem:$0x18200] =	vst v63  }
0x165: {  	s20 =	simm.s32 $0x17A00  }
0x166: {  	[tilespmem:s20], [sflag:$0x6] =	stream.indirect_vreg.gather [hbm4b:s7+s3], $0x80, v3, vm0, $0xb8;
	[tilespmem:$0x18200] =	vst v63  }
0x167: {  	_ =	swait.ge [sflag:s12], $0x4000  }
0x168: {  	s14 =	rddreg [dreg:$0x7];
	[sflag:s12] =	ssyncset.done $0x0  }
0x169: {  	[sflag:s12] =	ssyncadd.s32 $0xFFFFC000;
	s20 =	sadd.s32 s2, s14  }
0x16a: {  	[hbm4b:s20+s3] =	stream.linear.scatter [tilespmem:s22], [sflag:$0xA], $0x4000, $0x38;
	[tilespmem:$0x18200] =	vst v63  }
0x16b: {  	_ =	swait.ge [sflag:s24], $0x4000  }
0x16c: {  	[sflag:s24] =	ssyncset.done $0x0  }
0x16d: {  	[sflag:s24] =	ssyncadd.s32 $0xFFFFC000  }
0x16e: {  	v3 =	vld [tilespmem:s17+$0xFFFFFFF0];
	_ =	sdelay $0x4  }
0x16f: {  	v62 =	vshll.u32 v3, $0x3  }
0x170: {  	v3 =	vand.u32 $0x7, v3;
	v4 =	vand.u32 $0xFFFFFFC0, v62  }
0x171: {  	v3 =	vor.u32 v3, v4  }
0x172: {  	v4 =	vperm.xlane v3, v0;
	_ =	sdelay $0x1  }
0x173: {  	v4 =	vadd.s32 v1, v4;
	_ =	sdelay $0x4  }
0x174: {  	[tilespmem:s11], [sflag:$0x1] =	stream.indirect_vreg.gather [hbm4b:s1+s3], $0x80, v4, vm0, $0xb8;
	[tilespmem:$0x18200] =	vst v63  }
0x175: {  	s20 =	simm.s32 $0xA00;
	v3 =	vperm.xlane v3, v2  }
0x176: {  	[tilespmem:s20], [sflag:$0x1] =	stream.indirect_vreg.gather [hbm4b:s5+s3], $0x80, v4, vm0, $0xb8;
	[tilespmem:$0x18200] =	vst v63  }
0x177: {  	v3 =	vadd.s32 v1, v3;
	s20 =	simm.s32 $0x1200  }
0x178: {  	[tilespmem:s20], [sflag:$0x1] =	stream.indirect_vreg.gather [hbm4b:s6+s3], $0x80, v4, vm0, $0xb8;
	[tilespmem:$0x18200] =	vst v63  }
0x179: {  	s20 =	simm.s32 $0x1A00  }
0x17a: {  	[tilespmem:s20], [sflag:$0x1] =	stream.indirect_vreg.gather [hbm4b:s7+s3], $0x80, v4, vm0, $0xb8;
	[tilespmem:$0x18200] =	vst v63  }
0x17b: {  	s20 =	simm.s32 $0x2200  }
0x17c: {  	[tilespmem:s20], [sflag:$0x1] =	stream.indirect_vreg.gather [hbm4b:s1+s3], $0x80, v3, vm0, $0xb8;
	[tilespmem:$0x18200] =	vst v63  }
0x17d: {  	_ = 	snop  }
0x17e: {  	[tilespmem:s23], [sflag:$0x1] =	stream.indirect_vreg.gather [hbm4b:s5+s3], $0x80, v3, vm0, $0xb8;
	[tilespmem:$0x18200] =	vst v63  }
0x17f: {  	s20 =	simm.s32 $0x3200  }
0x180: {  	[tilespmem:s20], [sflag:$0x1] =	stream.indirect_vreg.gather [hbm4b:s6+s3], $0x80, v3, vm0, $0xb8;
	[tilespmem:$0x18200] =	vst v63  }
0x181: {  	s11 =	simm.s32 $0x3A00  }
0x182: {  	[tilespmem:s11], [sflag:$0x1] =	stream.indirect_vreg.gather [hbm4b:s7+s3], $0x80, v3, vm0, $0xb8;
	[tilespmem:$0x18200] =	vst v63  }
0x183: {  	_ =	swait.ge [sflag:s13], $0x4000  }
0x184: {  	s14 =	rddreg [dreg:$0x9];
	[sflag:s13] =	ssyncset.done $0x0  }
0x185: {  	[sflag:s13] =	ssyncadd.s32 $0xFFFFC000;
	s20 =	sadd.s32 s2, s14  }
0x186: {  	[hbm4b:s20+s3] =	stream.linear.scatter [tilespmem:s9], [sflag:$0xB], $0x4000, $0x38;
	[tilespmem:$0x18200] =	vst v63  }
0x187: {  	_ =	swait.ge [sflag:s26], $0x4000  }
0x188: {  	[sflag:s26] =	ssyncset.done $0x0  }
0x189: {  	[sflag:s26] =	ssyncadd.s32 $0xFFFFC000  }
0x18a: {  	v3 =	vld [tilespmem:s17+$0x0];
	_ =	sdelay $0x4  }
0x18b: {  	v63 =	vshll.u32 v3, $0x3  }
0x18c: {  	v3 =	vand.u32 $0x7, v3;
	v4 =	vand.u32 $0xFFFFFFC0, v63  }
0x18d: {  	v3 =	vor.u32 v3, v4  }
0x18e: {  	v4 =	vperm.xlane v3, v0;
	_ =	sdelay $0x1  }
0x18f: {  	v4 =	vadd.s32 v1, v4;
	_ =	sdelay $0x4  }
0x190: {  	[tilespmem:s18], [sflag:$0x2] =	stream.indirect_vreg.gather [hbm4b:s1+s3], $0x80, v4, vm0, $0xb8;
	[tilespmem:$0x18200] =	vst v63  }
0x191: {  	v3 =	vperm.xlane v3, v2;
	s18 =	simm.s32 $0x4A00  }
0x192: {  	[tilespmem:s18], [sflag:$0x2] =	stream.indirect_vreg.gather [hbm4b:s5+s3], $0x80, v4, vm0, $0xb8;
	[tilespmem:$0x18200] =	vst v63  }
0x193: {  	v3 =	vadd.s32 v1, v3  }
0x194: {  	[tilespmem:s0], [sflag:$0x2] =	stream.indirect_vreg.gather [hbm4b:s6+s3], $0x80, v4, vm0, $0xb8;
	[tilespmem:$0x18200] =	vst v63  }
0x195: {  	_ = 	snop  }
0x196: {  	[tilespmem:s19], [sflag:$0x2] =	stream.indirect_vreg.gather [hbm4b:s7+s3], $0x80, v4, vm0, $0xb8;
	[tilespmem:$0x18200] =	vst v63  }
0x197: {  	s20 =	simm.s32 $0x6200  }
0x198: {  	[tilespmem:s20], [sflag:$0x2] =	stream.indirect_vreg.gather [hbm4b:s1+s3], $0x80, v3, vm0, $0xb8;
	[tilespmem:$0x18200] =	vst v63  }
0x199: {  	s20 =	simm.s32 $0x6A00  }
0x19a: {  	[tilespmem:s20], [sflag:$0x2] =	stream.indirect_vreg.gather [hbm4b:s5+s3], $0x80, v3, vm0, $0xb8;
	[tilespmem:$0x18200] =	vst v63  }
0x19b: {  	s20 =	simm.s32 $0x7200  }
0x19c: {  	[tilespmem:s20], [sflag:$0x2] =	stream.indirect_vreg.gather [hbm4b:s6+s3], $0x80, v3, vm0, $0xb8;
	[tilespmem:$0x18200] =	vst v63  }
0x19d: {  	p0 =	sne.s32 s2, $0x9000;
	s20 =	simm.s32 $0x7A00  }
0x19e: {  	[tilespmem:s20], [sflag:$0x2] =	stream.indirect_vreg.gather [hbm4b:s7+s3], $0x80, v3, vm0, $0xb8;
	[tilespmem:$0x18200] =	vst v63  }
.Ltmp0:
0x19f: {  	_ = 	snop;
	(pc) =	sbr.rel @p0 .LBB2_2-.Ltmp0, $4  }
0x1a0: {  	s28 =	simm.s32 $0x200;
	s14 =	simm.s32 $0x4200;
	_ =	swait.ge [sflag:s4], $0x4000  }
0x1a1: {  	s17 =	sadd.s32 $0x60, s17;
	s20 =	rddreg [dreg:$0x8];
	[sflag:s4] =	ssyncset.done $0x0  }
0x1a2: {  	[sflag:s4] =	ssyncadd.s32 $0xFFFFC000;
	s20 =	sadd.s32 s2, s20;
	s2 =	sadd.s32 $0x3000, s2  }
0x1a3: {  	[hbm4b:s20+s3] =	stream.linear.scatter [tilespmem:s10], [sflag:$0xC], $0x4000, $0x38;
	[tilespmem:$0x18200] =	vst v63  }
0x1a4: {  	_ =	swait.ge [sflag:s15], $0x4000  }
0x1a5: {  	[sflag:s15] =	ssyncset.done $0x0  }
0x1a6: {  	[sflag:s15] =	ssyncadd.s32 $0xFFFFC000  }
0x1a7: {  	_ =	swait.ge [sflag:s8], $0x4000  }
0x1a8: {  	[sflag:s8] =	ssyncset.done $0x0  }
0x1a9: {  	s2 =	rddreg [dreg:$0x12];
	[sflag:s8] =	ssyncadd.s32 $0xFFFFC000  }
0x1aa: {  	[hbm4b:s2+s3] =	stream.linear.scatter [tilespmem:s28], [sflag:$0x7], $0x4000, $0x38;
	[tilespmem:$0x18200] =	vst v63  }
0x1ab: {  	_ =	swait.ge [sflag:s29], $0x4000  }
0x1ac: {  	[sflag:s29] =	ssyncset.done $0x0  }
0x1ad: {  	[sflag:s29] =	ssyncadd.s32 $0xFFFFC000  }
0x1ae: {  	_ =	swait.ge [sflag:s25], $0x4000  }
0x1af: {  	[sflag:s25] =	ssyncset.done $0x0  }
0x1b0: {  	s23 =	rddreg [dreg:$0x13];
	[sflag:s25] =	ssyncadd.s32 $0xFFFFC000  }
0x1b1: {  	[hbm4b:s23+s3] =	stream.linear.scatter [tilespmem:s14], [sflag:$0x8], $0x4000, $0x38;
	[tilespmem:$0x18200] =	vst v63  }
0x1b2: {  	_ =	swait.ge [sflag:s16], $0x4000  }
0x1b3: {  	[sflag:s16] =	ssyncset.done $0x0  }
0x1b4: {  	[sflag:s16] =	ssyncadd.s32 $0xFFFFC000  }
0x1b5: {  	_ =	swait.ge [sflag:s30], $0x4000  }
0x1b6: {  	[sflag:s30] =	ssyncset.done $0x0  }
0x1b7: {  	[sflag:s30] =	ssyncadd.s32 $0xFFFFC000  }
0x1b8: {  	_ =	swait.ge [sflag:s24], $0x4000  }
0x1b9: {  	[sflag:s24] =	ssyncset.done $0x0  }
0x1ba: {  	[sflag:s24] =	ssyncadd.s32 $0xFFFFC000  }
0x1bb: {  	_ =	swait.ge [sflag:s26], $0x4000  }
0x1bc: {  	s9 =	rddreg [dreg:$0x15]  }
0x1bd: {  	s28 =	rddreg [dreg:$0x14];
	s9 =	sadd.s32 $0x1, s9  }
0x1be: {  	p0 =	sne.s32 s9, s28  }
.Ltmp1:
0x1bf: {  	_ = 	snop;
	(pc) =	sbr.rel @p0 .LBB2_1-.Ltmp1, $4  }
0x1c0: {  	s20 =	simm.s32 $0xA00  }
0x1c1: {  	s22 =	simm.s32 $0x1200;
	s19 =	simm.s32 $0x1A00;
	s0 =	simm.s32 $0x2200  }
0x1c2: {  	s10 =	simm.s32 $0x5200;
	s21 =	simm.s32 $0x5A00;
	[sflag:s26] =	ssyncset.done $0x0  }
0x1c3: {  	s14 =	simm.s32 $0x2A00;
	s23 =	simm.s32 $0x3200;
	[sflag:s26] =	ssyncadd.s32 $0xFFFFC000  }
0x1c4: {  	_ =	sfence.sel $0x180000  }
0x1c5: {  	[bflag:$0x0] =	sbarrier.arrive $0xFFFF  }
0x1c6: {  	_ =	strace $0x90000047  }
0x1c7: {  	s0 =	stileid.u32;
	[bflag:$0x2] =	sbarrier.arrive $0xFFFF  }
0x1c8: {  	p0 =	sne.s32 s0, $0x0;
	s0 =	rddreg [dreg:$0x3]  }
0x1c9: {  	s0 =	sadd.s32 @!p0 $0x100000, s0  }
0x1ca: {  	[sflag:s0] =	ssyncadd.tile.s32 @!p0 $0x1;
	_ =	shalt  }
.Lfunc_end2:
_tile_overlayer_lowered:
.L_overlay_start_2:
0x1cb: {  	(tag) =	ssettag $0x2  }
0x1cc: {  	s0 =	rddreg [dreg:$0x0];
	s2 =	stileid.u32  }
0x1cd: {  	s1 =	rddreg [dreg:$0x1];
	p0 =	sne.s32 s2, $0x0  }
0x1ce: {  	s3 =	rddreg [dreg:$0x2];
	[bflag:$0x3] =	sbarrier.arrive $0xFFFF;
	s2 =	simm.s32 @!p0 $0x1C0D  }
0x1cf: {  	[timem:s3], [sflag:s2] =	dma.local @!p0 [hbm:s0], s1  }
0x1d0: {  	s0 =	simm.s32 @!p0 $0xD  }
0x1d1: {  	_ =	swait.ge @!p0 [sflag:s0], s1  }
0x1d2: {  	s1 =	ssub.s32 @!p0 $0x0, s1;
	[sflag:s0] =	ssyncset.done @!p0 $0x0  }
0x1d3: {  	[sflag:s0] =	ssyncadd.s32 @!p0 s1  }
0x1d4: {  	[bflag:$0x3] =	sbarrier.arrive $0xFFFF  }
0x1d5: {  	_ =	shalt  }

</sc_bundles>
